<compile_context>
chip_gen: v7x
topology: tpu7x:2x2x1
jax: 0.10.2.dev20260603
libtpu: 0.0.44.dev20260713+nightly
codegen_flags: <defaults>
</compile_context>

<pallas_src>
import jax
import jax.numpy as jnp
from jax import lax
from jax.experimental import pallas as pl
from jax.experimental.pallas import tpu as pltpu
from jax.experimental.pallas import tpu_sc as plsc

N_NODES = 10000
IN_DIM = 256
HID_DIM = 512
NC = 2
NS = 16
L = 16
HALF = IN_DIM // NC
CHUNK = 128
ZROWS = 632
ACC_ROWS = NS * ZROWS
BM = 1000


def _mesh():
    return plsc.VectorSubcoreMesh(
        core_axis_name="c", subcore_axis_name="s",
        num_cores=NC, num_subcores=NS)



def _deg_body(dst_hbm, ones_hbm, zeros_hbm, out_hbm, didx_v, ones_v, acc_sh):
    c = lax.axis_index("c")
    s = lax.axis_index("s")
    pltpu.sync_copy(zeros_hbm, acc_sh.at[pl.ds(s * ZROWS, ZROWS)])
    pltpu.sync_copy(ones_hbm, ones_v)
    plsc.subcore_barrier()
    edges_per_tile = dst_hbm.shape[0] // (NC * NS)
    base = (c * NS + s) * edges_per_tile

    def body(i, carry):
        pltpu.sync_copy(dst_hbm.at[pl.ds(base + i * CHUNK, CHUNK)], didx_v)
        pltpu.sync_copy(ones_v, acc_sh.at[didx_v], add=True)
        return carry

    lax.fori_loop(0, edges_per_tile // CHUNK, body, 0)
    plsc.subcore_barrier()
    pltpu.sync_copy(
        acc_sh.at[pl.ds(s * ZROWS, ZROWS)],
        out_hbm.at[pl.ds(c * ACC_ROWS + s * ZROWS, ZROWS)])


def _deg_call(dst_p, ones_hbm, zeros_hbm):
    return pl.kernel(
        _deg_body,
        out_type=jax.ShapeDtypeStruct((NC * ACC_ROWS, HALF), jnp.float32),
        mesh=_mesh(),
        scratch_types=[
            pltpu.VMEM((CHUNK,), jnp.int32),
            pltpu.VMEM((CHUNK, HALF), jnp.float32),
            pltpu.MemorySpace.VMEM_SHARED((ACC_ROWS, HALF), jnp.float32),
        ],
    )(dst_p, ones_hbm, zeros_hbm)



NBUF = 2


def _agg_body(src_hbm, dst_hbm, xs_hbm, zeros_hbm, out_hbm,
              sidx_v, didx_v, rows_v, acc_sh,
              is0, is1, gs0, gs1):
    isem = (is0, is1)
    gsem = (gs0, gs1)
    c = lax.axis_index("c")
    s = lax.axis_index("s")
    pltpu.sync_copy(zeros_hbm, acc_sh.at[pl.ds(s * ZROWS, ZROWS)])
    plsc.subcore_barrier()
    edges_per_tile = src_hbm.shape[0] // NS
    nch = edges_per_tile // CHUNK
    base = s * edges_per_tile
    off = jnp.full((L,), c * N_NODES, jnp.int32)

    def fire_idx(i, b):
        eb = base + i * CHUNK
        pltpu.async_copy(src_hbm.at[pl.ds(eb, CHUNK)], sidx_v.at[b], isem[b])
        pltpu.async_copy(dst_hbm.at[pl.ds(eb, CHUNK)], didx_v.at[b], isem[b])

    def wait_idx(b):
        pltpu.make_async_copy(src_hbm.at[pl.ds(0, CHUNK)], sidx_v.at[b], isem[b]).wait()
        pltpu.make_async_copy(src_hbm.at[pl.ds(0, CHUNK)], didx_v.at[b], isem[b]).wait()

    def fire_gather(b):
        for j in range(CHUNK // L):
            sl = pl.ds(j * L, L)
            sidx_v[b, sl] = sidx_v[b, sl] + off
        pltpu.async_copy(xs_hbm.at[sidx_v.at[b]], rows_v.at[b], gsem[b])

    def wait_gather(b):
        pltpu.make_async_copy(xs_hbm.at[pl.ds(0, CHUNK)], rows_v.at[b], gsem[b]).wait()

    fire_idx(0, 0)
    fire_idx(1, 1)
    wait_idx(0)
    fire_gather(0)

    def outer(o, carry):
        for b in range(NBUF):
            i = o * NBUF + b
            b1 = (b + 1) % NBUF

            @pl.when(i + 1 < nch)
            def _():
                wait_idx(b1)
                fire_gather(b1)

            wait_gather(b)
            pltpu.sync_copy(rows_v.at[b], acc_sh.at[didx_v.at[b]], add=True)

            @pl.when(i + NBUF < nch)
            def _():
                fire_idx(i + NBUF, b)
        return carry

    lax.fori_loop(0, nch // NBUF, outer, 0)
    plsc.subcore_barrier()
    pltpu.sync_copy(
        acc_sh.at[pl.ds(s * ZROWS, ZROWS)],
        out_hbm.at[pl.ds(c * ACC_ROWS + s * ZROWS, ZROWS)])


def _agg_call(src_p, dst_p, xs_flat, zeros_hbm):
    return pl.kernel(
        _agg_body,
        out_type=jax.ShapeDtypeStruct((NC * ACC_ROWS, HALF), jnp.float32),
        mesh=_mesh(),
        scratch_types=[
            pltpu.VMEM((NBUF, CHUNK), jnp.int32),
            pltpu.VMEM((NBUF, CHUNK), jnp.int32),
            pltpu.VMEM((NBUF, CHUNK, HALF), jnp.float32),
            pltpu.MemorySpace.VMEM_SHARED((ACC_ROWS, HALF), jnp.float32),
        ] + [pltpu.SemaphoreType.DMA] * 4,
    )(src_p, dst_p, xs_flat, zeros_hbm)



def _xs_body(dp_ref, x_ref, xs_ref):
    deg = dp_ref[0, :, 0:1] + dp_ref[1, :, 0:1] + 1.0
    xs_ref[...] = lax.rsqrt(deg) * x_ref[...]


def _xs_call(deg3, x):
    nb = N_NODES // BM
    return pl.pallas_call(
        _xs_body,
        grid=(NC, nb),
        in_specs=[
            pl.BlockSpec((NC, BM, L), lambda c, i: (0, i, 0)),
            pl.BlockSpec((BM, HALF), lambda c, i: (i, c)),
        ],
        out_specs=pl.BlockSpec((BM, HALF), lambda c, i: (c * nb + i, 0)),
        out_shape=jax.ShapeDtypeStruct((NC * N_NODES, HALF), jnp.float32),
    )(deg3, x)



def _mm_body(dp_ref, s_ref, xs_ref, w_ref, b_ref, o_ref):
    dinv = lax.rsqrt(dp_ref[0, :, 0:1] + dp_ref[1, :, 0:1] + 1.0)
    acc = b_ref[...] + jnp.dot(
        dinv * (s_ref[0] + xs_ref[0]), w_ref[0],
        preferred_element_type=jnp.float32)
    acc = acc + jnp.dot(
        dinv * (s_ref[1] + xs_ref[1]), w_ref[1],
        preferred_element_type=jnp.float32)
    o_ref[...] = jnp.maximum(acc, 0.0)


def _mm_call(deg3, s3, xs3, w3, b2):
    return pl.pallas_call(
        _mm_body,
        grid=(N_NODES // BM,),
        in_specs=[
            pl.BlockSpec((NC, BM, L), lambda i: (0, i, 0)),
            pl.BlockSpec((NC, BM, HALF), lambda i: (0, i, 0)),
            pl.BlockSpec((NC, BM, HALF), lambda i: (0, i, 0)),
            pl.BlockSpec((NC, HALF, HID_DIM), lambda i: (0, 0, 0)),
            pl.BlockSpec((1, HID_DIM), lambda i: (0, 0)),
        ],
        out_specs=pl.BlockSpec((BM, HID_DIM), lambda i: (i, 0)),
        out_shape=jax.ShapeDtypeStruct((N_NODES, HID_DIM), jnp.float32),
    )(deg3, s3, xs3, w3, b2)



def kernel(x, edge_index, W, b):
    e = edge_index.shape[1]
    quant = NC * NS * CHUNK
    e_pad = ((e + quant - 1) // quant) * quant
    pad = e_pad - e
    src_p = jnp.concatenate(
        [edge_index[0], jnp.zeros((pad,), jnp.int32)])
    dst_p = jnp.concatenate(
        [edge_index[1], jnp.full((pad,), N_NODES, jnp.int32)])

    ones_rows = jnp.ones((CHUNK, HALF), jnp.float32)
    zeros_agg = jnp.zeros((ZROWS, HALF), jnp.float32)

    deg_flat = _deg_call(dst_p, ones_rows, zeros_agg)
    deg3 = deg_flat.reshape(NC, ACC_ROWS, HALF)[:, :N_NODES, :L]
    xs_flat = _xs_call(deg3, x)
    s_flat = _agg_call(src_p, dst_p, xs_flat, zeros_agg)

    s3 = s_flat.reshape(NC, ACC_ROWS, HALF)
    xs3 = xs_flat.reshape(NC, N_NODES, HALF)
    w3 = W.reshape(NC, HALF, HID_DIM)
    b2 = b.reshape(1, HID_DIM)
    return _mm_call(deg3, s3, xs3, w3, b2)

# --- scband reference (transcript-rebuilt; emitter-appended) ---
"""Pipeline reference for scband-standard-gcnlayer-32770600468658 (READ-ONLY COPY).

The authoritative reference and input builder live on the scoring server;
editing this copy changes nothing except your own understanding.
"""

import jax, jax.numpy as jnp
import numpy as np

N = 10000
E = 160000
IN_DIM = 256
HID_DIM = 512


def setup_inputs(seed: int = 0) -> dict:
    key = jax.random.key(seed)
    k1, k2, k3 = jax.random.split(key, 3)
    x = jax.random.normal(k1, (N, IN_DIM), dtype=jnp.float32)
    edge_index = jax.random.randint(k2, (2, E), 0, N, dtype=jnp.int32)
    # GCNConv learned parameters: weight [in_dim, hid_dim] (glorot-ish) and bias [hid_dim]
    W = jax.random.normal(k3, (IN_DIM, HID_DIM), dtype=jnp.float32) * (1.0 / np.sqrt(IN_DIM))
    b = jnp.zeros((HID_DIM,), dtype=jnp.float32)
    return {"x": x, "edge_index": edge_index, "W": W, "b": b}


def reference(x, edge_index, W, b):
    # Faithful GCNConv (PyG semantics): add self-loops, symmetric D^-1/2 (A+I) D^-1/2 normalization,
    # linear transform, sum aggregation, bias, then ReLU (the StandardGCNLayer forward).
    n = x.shape[0]
    src = edge_index[0]
    dst = edge_index[1]
    loop = jnp.arange(n, dtype=src.dtype)
    src = jnp.concatenate([src, loop])
    dst = jnp.concatenate([dst, loop])
    # degree computed on destination nodes (scatter-add of ones)
    deg = jnp.zeros((n,), dtype=x.dtype).at[dst].add(1.0)
    dinv = jnp.where(deg > 0, jax.lax.rsqrt(deg), 0.0)
    norm = dinv[src] * dinv[dst]
    # transform first (in_dim -> hid_dim), then propagate
    h = x @ W
    msg = h[src] * norm[:, None]          # gather + edgewise scale
    out = jnp.zeros((n, h.shape[1]), dtype=h.dtype).at[dst].add(msg)  # scatter-add
    out = out + b
    return jax.nn.relu(out)

if __name__ == "__main__":
    import jax
    _d = setup_inputs()
    print(jax.jit(kernel)(*tuple(_d.values())))

</pallas_src>

<mosaic_0001>
#map = affine_map<(d0, d1) -> (0)>
#map1 = affine_map<(d0, d1) -> (0, 0)>
module attributes {stable_mosaic.version = 14 : i64} {
  func.func @_agg_body(%arg0: i32, %arg1: i32, %arg2: memref<163840xi32, #tpu.memory_space<hbm>>, %arg3: memref<163840xi32, #tpu.memory_space<hbm>>, %arg4: memref<20000x128xf32, #tpu.memory_space<hbm>>, %arg5: memref<632x128xf32, #tpu.memory_space<hbm>>, %arg6: memref<20224x128xf32, #tpu.memory_space<hbm>>, %arg7: memref<2x128xi32, #tpu.memory_space<vmem>>, %arg8: memref<2x128xi32, #tpu.memory_space<vmem>>, %arg9: memref<2x128x128xf32, #tpu.memory_space<vmem>>, %arg10: memref<10112x128xf32, #tpu.memory_space<vmem_shared>>, %arg11: memref<!tpu.dma_semaphore, #tpu.memory_space<semaphore_mem>>, %arg12: memref<!tpu.dma_semaphore, #tpu.memory_space<semaphore_mem>>, %arg13: memref<!tpu.dma_semaphore, #tpu.memory_space<semaphore_mem>>, %arg14: memref<!tpu.dma_semaphore, #tpu.memory_space<semaphore_mem>>) attributes {dimension_semantics = [#tpu.dimension_semantics<core_parallel>, #tpu.dimension_semantics<subcore_parallel>], iteration_bounds = array<i64: 2, 16>, scalar_prefetch = 0 : i64, scratch_operands = 8 : i64, tpu.core_type = #tpu.core_type<sc_vector_subcore>, window_params = [{transform_indices = #map}, {transform_indices = #map}, {transform_indices = #map1}, {transform_indices = #map1}, {transform_indices = #map1}]} {
    %mul3A = arith.constant 632 : i32
    %mul3A_0 = arith.muli %arg1, %mul3A : i32
    "tpu.region"() ({
      %run_scoped3A = tpu.sem_alloc : memref<!tpu.dma_semaphore, #tpu.memory_space<semaphore_mem>>
      %dma_start3A_183 = arith.constant 0 : i32
      %dma_start3A_184 = tpu.memref_slice %arg10[%mul3A_0, %dma_start3A_183] : memref<10112x128xf32, #tpu.memory_space<vmem_shared>> -> memref<632x128xf32, #tpu.memory_space<vmem_shared>>
      tpu.enqueue_dma source(%arg5 : memref<632x128xf32, #tpu.memory_space<hbm>>) target(%dma_start3A_184 : memref<632x128xf32, #tpu.memory_space<vmem_shared>>) target_semaphore(%run_scoped3A : memref<!tpu.dma_semaphore, #tpu.memory_space<semaphore_mem>>)
      %dma_wait3A_185 = arith.constant 0 : i32
      %dma_wait3A_186 = tpu.memref_slice %arg10[%mul3A_0, %dma_wait3A_185] : memref<10112x128xf32, #tpu.memory_space<vmem_shared>> -> memref<632x128xf32, #tpu.memory_space<vmem_shared>>
      tpu.wait_dma2 semaphore(%run_scoped3A : memref<!tpu.dma_semaphore, #tpu.memory_space<semaphore_mem>>) src(%arg5 : memref<632x128xf32, #tpu.memory_space<hbm>>) dst(%dma_wait3A_186 : memref<632x128xf32, #tpu.memory_space<vmem_shared>>)
      tpu.yield
    }) : () -> ()
    %barrier3A = arith.constant 0 : index
    tpu.barrier barrier_id(%barrier3A)
    %mul3A_1 = arith.constant 10240 : i32
    %mul3A_2 = arith.muli %arg1, %mul3A_1 : i32
    %mul3A_3 = arith.constant 10000 : i32
    %mul3A_4 = arith.muli %arg0, %mul3A_3 : i32
    %broadcast_in_dim3A = vector.broadcast %mul3A_4 : i32 to vector<16xi32>
    %add3A = arith.constant 0 : i32
    %add3A_5 = arith.addi %mul3A_2, %add3A : i32
    %dma_start3A = arith.constant 0 : i32
    %dma_start3A_6 = arith.constant 0 : i32
    %dma_start3A_7 = tpu.memref_slice %arg7[%dma_start3A, %dma_start3A_6] : memref<2x128xi32, #tpu.memory_space<vmem>> -> memref<1x128xi32, #tpu.memory_space<vmem>>
    %dma_start3A_8 = tpu.memref_squeeze %dma_start3A_7 : memref<1x128xi32, #tpu.memory_space<vmem>> -> memref<128xi32, #tpu.memory_space<vmem>>
    %dma_start3A_9 = tpu.memref_slice %arg2[%add3A_5] : memref<163840xi32, #tpu.memory_space<hbm>> -> memref<128xi32, #tpu.memory_space<hbm>>
    %dma_start3A_10 = arith.constant 0 : i32
    %dma_start3A_11 = tpu.memref_slice %arg7[%dma_start3A, %dma_start3A_10] : memref<2x128xi32, #tpu.memory_space<vmem>> -> memref<1x128xi32, #tpu.memory_space<vmem>>
    %dma_start3A_12 = tpu.memref_squeeze %dma_start3A_11 : memref<1x128xi32, #tpu.memory_space<vmem>> -> memref<128xi32, #tpu.memory_space<vmem>>
    %dma_start3A_13 = tpu.memref_slice %arg2[%add3A_5] : memref<163840xi32, #tpu.memory_space<hbm>> -> memref<128xi32, #tpu.memory_space<hbm>>
    tpu.enqueue_dma source(%dma_start3A_13 : memref<128xi32, #tpu.memory_space<hbm>>) target(%dma_start3A_12 : memref<128xi32, #tpu.memory_space<vmem>>) target_semaphore(%arg11 : memref<!tpu.dma_semaphore, #tpu.memory_space<semaphore_mem>>)
    %dma_start3A_14 = arith.constant 0 : i32
    %dma_start3A_15 = arith.constant 0 : i32
    %dma_start3A_16 = tpu.memref_slice %arg8[%dma_start3A_14, %dma_start3A_15] : memref<2x128xi32, #tpu.memory_space<vmem>> -> memref<1x128xi32, #tpu.memory_space<vmem>>
    %dma_start3A_17 = tpu.memref_squeeze %dma_start3A_16 : memref<1x128xi32, #tpu.memory_space<vmem>> -> memref<128xi32, #tpu.memory_space<vmem>>
    %dma_start3A_18 = tpu.memref_slice %arg3[%add3A_5] : memref<163840xi32, #tpu.memory_space<hbm>> -> memref<128xi32, #tpu.memory_space<hbm>>
    %dma_start3A_19 = arith.constant 0 : i32
    %dma_start3A_20 = tpu.memref_slice %arg8[%dma_start3A_14, %dma_start3A_19] : memref<2x128xi32, #tpu.memory_space<vmem>> -> memref<1x128xi32, #tpu.memory_space<vmem>>
    %dma_start3A_21 = tpu.memref_squeeze %dma_start3A_20 : memref<1x128xi32, #tpu.memory_space<vmem>> -> memref<128xi32, #tpu.memory_space<vmem>>
    %dma_start3A_22 = tpu.memref_slice %arg3[%add3A_5] : memref<163840xi32, #tpu.memory_space<hbm>> -> memref<128xi32, #tpu.memory_space<hbm>>
    tpu.enqueue_dma source(%dma_start3A_22 : memref<128xi32, #tpu.memory_space<hbm>>) target(%dma_start3A_21 : memref<128xi32, #tpu.memory_space<vmem>>) target_semaphore(%arg11 : memref<!tpu.dma_semaphore, #tpu.memory_space<semaphore_mem>>)
    %add3A_23 = arith.constant 128 : i32
    %add3A_24 = arith.addi %mul3A_2, %add3A_23 : i32
    %dma_start3A_25 = arith.constant 1 : i32
    %dma_start3A_26 = arith.constant 0 : i32
    %dma_start3A_27 = tpu.memref_slice %arg7[%dma_start3A_25, %dma_start3A_26] : memref<2x128xi32, #tpu.memory_space<vmem>> -> memref<1x128xi32, #tpu.memory_space<vmem>>
    %dma_start3A_28 = tpu.memref_squeeze %dma_start3A_27 : memref<1x128xi32, #tpu.memory_space<vmem>> -> memref<128xi32, #tpu.memory_space<vmem>>
    %dma_start3A_29 = tpu.memref_slice %arg2[%add3A_24] : memref<163840xi32, #tpu.memory_space<hbm>> -> memref<128xi32, #tpu.memory_space<hbm>>
    %dma_start3A_30 = arith.constant 0 : i32
    %dma_start3A_31 = tpu.memref_slice %arg7[%dma_start3A_25, %dma_start3A_30] : memref<2x128xi32, #tpu.memory_space<vmem>> -> memref<1x128xi32, #tpu.memory_space<vmem>>
    %dma_start3A_32 = tpu.memref_squeeze %dma_start3A_31 : memref<1x128xi32, #tpu.memory_space<vmem>> -> memref<128xi32, #tpu.memory_space<vmem>>
    %dma_start3A_33 = tpu.memref_slice %arg2[%add3A_24] : memref<163840xi32, #tpu.memory_space<hbm>> -> memref<128xi32, #tpu.memory_space<hbm>>
    tpu.enqueue_dma source(%dma_start3A_33 : memref<128xi32, #tpu.memory_space<hbm>>) target(%dma_start3A_32 : memref<128xi32, #tpu.memory_space<vmem>>) target_semaphore(%arg12 : memref<!tpu.dma_semaphore, #tpu.memory_space<semaphore_mem>>)
    %dma_start3A_34 = arith.constant 1 : i32
    %dma_start3A_35 = arith.constant 0 : i32
    %dma_start3A_36 = tpu.memref_slice %arg8[%dma_start3A_34, %dma_start3A_35] : memref<2x128xi32, #tpu.memory_space<vmem>> -> memref<1x128xi32, #tpu.memory_space<vmem>>
    %dma_start3A_37 = tpu.memref_squeeze %dma_start3A_36 : memref<1x128xi32, #tpu.memory_space<vmem>> -> memref<128xi32, #tpu.memory_space<vmem>>
    %dma_start3A_38 = tpu.memref_slice %arg3[%add3A_24] : memref<163840xi32, #tpu.memory_space<hbm>> -> memref<128xi32, #tpu.memory_space<hbm>>
    %dma_start3A_39 = arith.constant 0 : i32
    %dma_start3A_40 = tpu.memref_slice %arg8[%dma_start3A_34, %dma_start3A_39] : memref<2x128xi32, #tpu.memory_space<vmem>> -> memref<1x128xi32, #tpu.memory_space<vmem>>
    %dma_start3A_41 = tpu.memref_squeeze %dma_start3A_40 : memref<1x128xi32, #tpu.memory_space<vmem>> -> memref<128xi32, #tpu.memory_space<vmem>>
    %dma_start3A_42 = tpu.memref_slice %arg3[%add3A_24] : memref<163840xi32, #tpu.memory_space<hbm>> -> memref<128xi32, #tpu.memory_space<hbm>>
    tpu.enqueue_dma source(%dma_start3A_42 : memref<128xi32, #tpu.memory_space<hbm>>) target(%dma_start3A_41 : memref<128xi32, #tpu.memory_space<vmem>>) target_semaphore(%arg12 : memref<!tpu.dma_semaphore, #tpu.memory_space<semaphore_mem>>)
    %dma_wait3A = arith.constant 0 : i32
    %dma_wait3A_43 = arith.constant 0 : i32
    %dma_wait3A_44 = tpu.memref_slice %arg7[%dma_wait3A, %dma_wait3A_43] : memref<2x128xi32, #tpu.memory_space<vmem>> -> memref<1x128xi32, #tpu.memory_space<vmem>>
    %dma_wait3A_45 = tpu.memref_squeeze %dma_wait3A_44 : memref<1x128xi32, #tpu.memory_space<vmem>> -> memref<128xi32, #tpu.memory_space<vmem>>
    %dma_wait3A_46 = arith.constant 0 : i32
    %dma_wait3A_47 = tpu.memref_slice %arg2[%dma_wait3A_46] : memref<163840xi32, #tpu.memory_space<hbm>> -> memref<128xi32, #tpu.memory_space<hbm>>
    %dma_wait3A_48 = arith.constant 0 : i32
    %dma_wait3A_49 = tpu.memref_slice %arg7[%dma_wait3A, %dma_wait3A_48] : memref<2x128xi32, #tpu.memory_space<vmem>> -> memref<1x128xi32, #tpu.memory_space<vmem>>
    %dma_wait3A_50 = tpu.memref_squeeze %dma_wait3A_49 : memref<1x128xi32, #tpu.memory_space<vmem>> -> memref<128xi32, #tpu.memory_space<vmem>>
    %dma_wait3A_51 = arith.constant 0 : i32
    %dma_wait3A_52 = tpu.memref_slice %arg2[%dma_wait3A_51] : memref<163840xi32, #tpu.memory_space<hbm>> -> memref<128xi32, #tpu.memory_space<hbm>>
    tpu.wait_dma2 semaphore(%arg11 : memref<!tpu.dma_semaphore, #tpu.memory_space<semaphore_mem>>) src(%dma_wait3A_52 : memref<128xi32, #tpu.memory_space<hbm>>) dst(%dma_wait3A_50 : memref<128xi32, #tpu.memory_space<vmem>>)
    %dma_wait3A_53 = arith.constant 0 : i32
    %dma_wait3A_54 = arith.constant 0 : i32
    %dma_wait3A_55 = tpu.memref_slice %arg8[%dma_wait3A_53, %dma_wait3A_54] : memref<2x128xi32, #tpu.memory_space<vmem>> -> memref<1x128xi32, #tpu.memory_space<vmem>>
    %dma_wait3A_56 = tpu.memref_squeeze %dma_wait3A_55 : memref<1x128xi32, #tpu.memory_space<vmem>> -> memref<128xi32, #tpu.memory_space<vmem>>
    %dma_wait3A_57 = arith.constant 0 : i32
    %dma_wait3A_58 = tpu.memref_slice %arg2[%dma_wait3A_57] : memref<163840xi32, #tpu.memory_space<hbm>> -> memref<128xi32, #tpu.memory_space<hbm>>
    %dma_wait3A_59 = arith.constant 0 : i32
    %dma_wait3A_60 = tpu.memref_slice %arg8[%dma_wait3A_53, %dma_wait3A_59] : memref<2x128xi32, #tpu.memory_space<vmem>> -> memref<1x128xi32, #tpu.memory_space<vmem>>
    %dma_wait3A_61 = tpu.memref_squeeze %dma_wait3A_60 : memref<1x128xi32, #tpu.memory_space<vmem>> -> memref<128xi32, #tpu.memory_space<vmem>>
    %dma_wait3A_62 = arith.constant 0 : i32
    %dma_wait3A_63 = tpu.memref_slice %arg2[%dma_wait3A_62] : memref<163840xi32, #tpu.memory_space<hbm>> -> memref<128xi32, #tpu.memory_space<hbm>>
    tpu.wait_dma2 semaphore(%arg11 : memref<!tpu.dma_semaphore, #tpu.memory_space<semaphore_mem>>) src(%dma_wait3A_63 : memref<128xi32, #tpu.memory_space<hbm>>) dst(%dma_wait3A_61 : memref<128xi32, #tpu.memory_space<vmem>>)
    %get3A = arith.constant 0 : i32
    %get3A_64 = arith.index_cast %get3A : i32 to index
    %get3A_65 = arith.constant 0 : index
    %get3A_66 = tpu.vector_load %arg7[%get3A_64, %get3A_65] {strides = array<i32>} : memref<2x128xi32, #tpu.memory_space<vmem>>, vector<1x16xi32>,
    %get3A_67 = vector.shape_cast %get3A_66 : vector<1x16xi32> to vector<16xi32>
    %add3A_68 = arith.addi %get3A_67, %broadcast_in_dim3A : vector<16xi32>
    %swap3A = arith.constant 0 : i32
    %swap3A_69 = arith.index_cast %swap3A : i32 to index
    %swap3A_70 = arith.constant 0 : index
    %swap3A_71 = tpu.vector_load %arg7[%swap3A_69, %swap3A_70] {strides = array<i32>} : memref<2x128xi32, #tpu.memory_space<vmem>>, vector<1x16xi32>,
    %swap3A_72 = vector.shape_cast %swap3A_71 : vector<1x16xi32> to vector<16xi32>
    %swap3A_73 = vector.shape_cast %add3A_68 : vector<16xi32> to vector<1x16xi32>
    tpu.vector_store %arg7[%swap3A_69, %swap3A_70], %swap3A_73 {strides = array<i32>} : memref<2x128xi32, #tpu.memory_space<vmem>>, vector<1x16xi32>,
    %get3A_74 = arith.constant 0 : i32
    %get3A_75 = arith.index_cast %get3A_74 : i32 to index
    %get3A_76 = arith.constant 16 : index
    %get3A_77 = tpu.vector_load %arg7[%get3A_75, %get3A_76] {strides = array<i32>} : memref<2x128xi32, #tpu.memory_space<vmem>>, vector<1x16xi32>,
    %get3A_78 = vector.shape_cast %get3A_77 : vector<1x16xi32> to vector<16xi32>
    %add3A_79 = arith.addi %get3A_78, %broadcast_in_dim3A : vector<16xi32>
    %swap3A_80 = arith.constant 0 : i32
    %swap3A_81 = arith.index_cast %swap3A_80 : i32 to index
    %swap3A_82 = arith.constant 16 : index
    %swap3A_83 = tpu.vector_load %arg7[%swap3A_81, %swap3A_82] {strides = array<i32>} : memref<2x128xi32, #tpu.memory_space<vmem>>, vector<1x16xi32>,
    %swap3A_84 = vector.shape_cast %swap3A_83 : vector<1x16xi32> to vector<16xi32>
    %swap3A_85 = vector.shape_cast %add3A_79 : vector<16xi32> to vector<1x16xi32>
    tpu.vector_store %arg7[%swap3A_81, %swap3A_82], %swap3A_85 {strides = array<i32>} : memref<2x128xi32, #tpu.memory_space<vmem>>, vector<1x16xi32>,
    %get3A_86 = arith.constant 0 : i32
    %get3A_87 = arith.index_cast %get3A_86 : i32 to index
    %get3A_88 = arith.constant 32 : index
    %get3A_89 = tpu.vector_load %arg7[%get3A_87, %get3A_88] {strides = array<i32>} : memref<2x128xi32, #tpu.memory_space<vmem>>, vector<1x16xi32>,
    %get3A_90 = vector.shape_cast %get3A_89 : vector<1x16xi32> to vector<16xi32>
    %add3A_91 = arith.addi %get3A_90, %broadcast_in_dim3A : vector<16xi32>
    %swap3A_92 = arith.constant 0 : i32
    %swap3A_93 = arith.index_cast %swap3A_92 : i32 to index
    %swap3A_94 = arith.constant 32 : index
    %swap3A_95 = tpu.vector_load %arg7[%swap3A_93, %swap3A_94] {strides = array<i32>} : memref<2x128xi32, #tpu.memory_space<vmem>>, vector<1x16xi32>,
    %swap3A_96 = vector.shape_cast %swap3A_95 : vector<1x16xi32> to vector<16xi32>
    %swap3A_97 = vector.shape_cast %add3A_91 : vector<16xi32> to vector<1x16xi32>
    tpu.vector_store %arg7[%swap3A_93, %swap3A_94], %swap3A_97 {strides = array<i32>} : memref<2x128xi32, #tpu.memory_space<vmem>>, vector<1x16xi32>,
    %get3A_98 = arith.constant 0 : i32
    %get3A_99 = arith.index_cast %get3A_98 : i32 to index
    %get3A_100 = arith.constant 48 : index
    %get3A_101 = tpu.vector_load %arg7[%get3A_99, %get3A_100] {strides = array<i32>} : memref<2x128xi32, #tpu.memory_space<vmem>>, vector<1x16xi32>,
    %get3A_102 = vector.shape_cast %get3A_101 : vector<1x16xi32> to vector<16xi32>
    %add3A_103 = arith.addi %get3A_102, %broadcast_in_dim3A : vector<16xi32>
    %swap3A_104 = arith.constant 0 : i32
    %swap3A_105 = arith.index_cast %swap3A_104 : i32 to index
    %swap3A_106 = arith.constant 48 : index
    %swap3A_107 = tpu.vector_load %arg7[%swap3A_105, %swap3A_106] {strides = array<i32>} : memref<2x128xi32, #tpu.memory_space<vmem>>, vector<1x16xi32>,
    %swap3A_108 = vector.shape_cast %swap3A_107 : vector<1x16xi32> to vector<16xi32>
    %swap3A_109 = vector.shape_cast %add3A_103 : vector<16xi32> to vector<1x16xi32>
    tpu.vector_store %arg7[%swap3A_105, %swap3A_106], %swap3A_109 {strides = array<i32>} : memref<2x128xi32, #tpu.memory_space<vmem>>, vector<1x16xi32>,
    %get3A_110 = arith.constant 0 : i32
    %get3A_111 = arith.index_cast %get3A_110 : i32 to index
    %get3A_112 = arith.constant 64 : index
    %get3A_113 = tpu.vector_load %arg7[%get3A_111, %get3A_112] {strides = array<i32>} : memref<2x128xi32, #tpu.memory_space<vmem>>, vector<1x16xi32>,
    %get3A_114 = vector.shape_cast %get3A_113 : vector<1x16xi32> to vector<16xi32>
    %add3A_115 = arith.addi %get3A_114, %broadcast_in_dim3A : vector<16xi32>
    %swap3A_116 = arith.constant 0 : i32
    %swap3A_117 = arith.index_cast %swap3A_116 : i32 to index
    %swap3A_118 = arith.constant 64 : index
    %swap3A_119 = tpu.vector_load %arg7[%swap3A_117, %swap3A_118] {strides = array<i32>} : memref<2x128xi32, #tpu.memory_space<vmem>>, vector<1x16xi32>,
    %swap3A_120 = vector.shape_cast %swap3A_119 : vector<1x16xi32> to vector<16xi32>
    %swap3A_121 = vector.shape_cast %add3A_115 : vector<16xi32> to vector<1x16xi32>
    tpu.vector_store %arg7[%swap3A_117, %swap3A_118], %swap3A_121 {strides = array<i32>} : memref<2x128xi32, #tpu.memory_space<vmem>>, vector<1x16xi32>,
    %get3A_122 = arith.constant 0 : i32
    %get3A_123 = arith.index_cast %get3A_122 : i32 to index
    %get3A_124 = arith.constant 80 : index
    %get3A_125 = tpu.vector_load %arg7[%get3A_123, %get3A_124] {strides = array<i32>} : memref<2x128xi32, #tpu.memory_space<vmem>>, vector<1x16xi32>,
    %get3A_126 = vector.shape_cast %get3A_125 : vector<1x16xi32> to vector<16xi32>
    %add3A_127 = arith.addi %get3A_126, %broadcast_in_dim3A : vector<16xi32>
    %swap3A_128 = arith.constant 0 : i32
    %swap3A_129 = arith.index_cast %swap3A_128 : i32 to index
    %swap3A_130 = arith.constant 80 : index
    %swap3A_131 = tpu.vector_load %arg7[%swap3A_129, %swap3A_130] {strides = array<i32>} : memref<2x128xi32, #tpu.memory_space<vmem>>, vector<1x16xi32>,
    %swap3A_132 = vector.shape_cast %swap3A_131 : vector<1x16xi32> to vector<16xi32>
    %swap3A_133 = vector.shape_cast %add3A_127 : vector<16xi32> to vector<1x16xi32>
    tpu.vector_store %arg7[%swap3A_129, %swap3A_130], %swap3A_133 {strides = array<i32>} : memref<2x128xi32, #tpu.memory_space<vmem>>, vector<1x16xi32>,
    %get3A_134 = arith.constant 0 : i32
    %get3A_135 = arith.index_cast %get3A_134 : i32 to index
    %get3A_136 = arith.constant 96 : index
    %get3A_137 = tpu.vector_load %arg7[%get3A_135, %get3A_136] {strides = array<i32>} : memref<2x128xi32, #tpu.memory_space<vmem>>, vector<1x16xi32>,
    %get3A_138 = vector.shape_cast %get3A_137 : vector<1x16xi32> to vector<16xi32>
    %add3A_139 = arith.addi %get3A_138, %broadcast_in_dim3A : vector<16xi32>
    %swap3A_140 = arith.constant 0 : i32
    %swap3A_141 = arith.index_cast %swap3A_140 : i32 to index
    %swap3A_142 = arith.constant 96 : index
    %swap3A_143 = tpu.vector_load %arg7[%swap3A_141, %swap3A_142] {strides = array<i32>} : memref<2x128xi32, #tpu.memory_space<vmem>>, vector<1x16xi32>,
    %swap3A_144 = vector.shape_cast %swap3A_143 : vector<1x16xi32> to vector<16xi32>
    %swap3A_145 = vector.shape_cast %add3A_139 : vector<16xi32> to vector<1x16xi32>
    tpu.vector_store %arg7[%swap3A_141, %swap3A_142], %swap3A_145 {strides = array<i32>} : memref<2x128xi32, #tpu.memory_space<vmem>>, vector<1x16xi32>,
    %get3A_146 = arith.constant 0 : i32
    %get3A_147 = arith.index_cast %get3A_146 : i32 to index
    %get3A_148 = arith.constant 112 : index
    %get3A_149 = tpu.vector_load %arg7[%get3A_147, %get3A_148] {strides = array<i32>} : memref<2x128xi32, #tpu.memory_space<vmem>>, vector<1x16xi32>,
    %get3A_150 = vector.shape_cast %get3A_149 : vector<1x16xi32> to vector<16xi32>
    %add3A_151 = arith.addi %get3A_150, %broadcast_in_dim3A : vector<16xi32>
    %swap3A_152 = arith.constant 0 : i32
    %swap3A_153 = arith.index_cast %swap3A_152 : i32 to index
    %swap3A_154 = arith.constant 112 : index
    %swap3A_155 = tpu.vector_load %arg7[%swap3A_153, %swap3A_154] {strides = array<i32>} : memref<2x128xi32, #tpu.memory_space<vmem>>, vector<1x16xi32>,
    %swap3A_156 = vector.shape_cast %swap3A_155 : vector<1x16xi32> to vector<16xi32>
    %swap3A_157 = vector.shape_cast %add3A_151 : vector<16xi32> to vector<1x16xi32>
    tpu.vector_store %arg7[%swap3A_153, %swap3A_154], %swap3A_157 {strides = array<i32>} : memref<2x128xi32, #tpu.memory_space<vmem>>, vector<1x16xi32>,
    %dma_start3A_158 = arith.constant 0 : i32
    %dma_start3A_159 = arith.constant 0 : i32
    %dma_start3A_160 = arith.constant 0 : i32
    %dma_start3A_161 = arith.constant 0 : i32
    %dma_start3A_162 = tpu.memref_slice %arg9[%dma_start3A_159, %dma_start3A_160, %dma_start3A_161] : memref<2x128x128xf32, #tpu.memory_space<vmem>> -> memref<1x128x128xf32, #tpu.memory_space<vmem>>
    %dma_start3A_163 = tpu.memref_squeeze %dma_start3A_162 : memref<1x128x128xf32, #tpu.memory_space<vmem>> -> memref<128x128xf32, #tpu.memory_space<vmem>>
    %dma_start3A_164 = arith.constant 0 : i32
    %dma_start3A_165 = tpu.memref_slice %arg7[%dma_start3A_158, %dma_start3A_164] : memref<2x128xi32, #tpu.memory_space<vmem>> -> memref<1x128xi32, #tpu.memory_space<vmem>>
    %dma_start3A_166 = tpu.memref_squeeze %dma_start3A_165 : memref<1x128xi32, #tpu.memory_space<vmem>> -> memref<128xi32, #tpu.memory_space<vmem>>
    %dma_start3A_167 = arith.constant 0 : i32
    %dma_start3A_168 = arith.constant 0 : i32
    %dma_start3A_169 = tpu.memref_slice %arg4[%dma_start3A_167, %dma_start3A_168] : memref<20000x128xf32, #tpu.memory_space<hbm>> -> memref<20000x128xf32, #tpu.memory_space<hbm>>
    tpu.enqueue_indirect_dma source(%dma_start3A_169 : memref<20000x128xf32, #tpu.memory_space<hbm>>) target(%dma_start3A_163 : memref<128x128xf32, #tpu.memory_space<vmem>>) offsets(%dma_start3A_166 : memref<128xi32, #tpu.memory_space<vmem>>) semaphore(%arg13 : memref<!tpu.dma_semaphore, #tpu.memory_space<semaphore_mem>>)
    %scan3A = arith.constant 0 : i32
    %scan3A_170 = arith.constant 0 : i32
    %scan3A_171 = arith.constant 40 : i32
    %scan3A_172 = arith.addi %scan3A_170, %scan3A_171 : i32
    %scan3A_173 = arith.constant 1 : i32
    scf.for %scan3A_183 = %scan3A_170 to %scan3A_172 step %scan3A_173  : i32 {
      %mul3A_184 = arith.constant 2 : i32
      %mul3A_185 = arith.muli %scan3A_183, %mul3A_184 : i32
      %add3A_186 = arith.constant 0 : i32
      %add3A_187 = arith.addi %mul3A_185, %add3A_186 : i32
      %add3A_188 = arith.constant 1 : i32
      %add3A_189 = arith.addi %add3A_187, %add3A_188 : i32
      %lt3A = arith.constant 80 : i32
      %lt3A_190 = arith.cmpi slt, %add3A_189, %lt3A : i32
      %convert_element_type3A = arith.extui %lt3A_190 : i1 to i32
      %cond3A = arith.constant 0 : i32
      %cond3A_191 = arith.cmpi ne, %convert_element_type3A, %cond3A : i32
      scf.if %cond3A_191 {
        %dma_wait3A_250 = arith.constant 1 : i32
        %dma_wait3A_251 = arith.constant 0 : i32
        %dma_wait3A_252 = tpu.memref_slice %arg7[%dma_wait3A_250, %dma_wait3A_251] : memref<2x128xi32, #tpu.memory_space<vmem>> -> memref<1x128xi32, #tpu.memory_space<vmem>>
        %dma_wait3A_253 = tpu.memref_squeeze %dma_wait3A_252 : memref<1x128xi32, #tpu.memory_space<vmem>> -> memref<128xi32, #tpu.memory_space<vmem>>
        %dma_wait3A_254 = arith.constant 0 : i32
        %dma_wait3A_255 = tpu.memref_slice %arg2[%dma_wait3A_254] : memref<163840xi32, #tpu.memory_space<hbm>> -> memref<128xi32, #tpu.memory_space<hbm>>
        %dma_wait3A_256 = arith.constant 0 : i32
        %dma_wait3A_257 = tpu.memref_slice %arg7[%dma_wait3A_250, %dma_wait3A_256] : memref<2x128xi32, #tpu.memory_space<vmem>> -> memref<1x128xi32, #tpu.memory_space<vmem>>
        %dma_wait3A_258 = tpu.memref_squeeze %dma_wait3A_257 : memref<1x128xi32, #tpu.memory_space<vmem>> -> memref<128xi32, #tpu.memory_space<vmem>>
        %dma_wait3A_259 = arith.constant 0 : i32
        %dma_wait3A_260 = tpu.memref_slice %arg2[%dma_wait3A_259] : memref<163840xi32, #tpu.memory_space<hbm>> -> memref<128xi32, #tpu.memory_space<hbm>>
        tpu.wait_dma2 semaphore(%arg12 : memref<!tpu.dma_semaphore, #tpu.memory_space<semaphore_mem>>) src(%dma_wait3A_260 : memref<128xi32, #tpu.memory_space<hbm>>) dst(%dma_wait3A_258 : memref<128xi32, #tpu.memory_space<vmem>>)
        %dma_wait3A_261 = arith.constant 1 : i32
        %dma_wait3A_262 = arith.constant 0 : i32
        %dma_wait3A_263 = tpu.memref_slice %arg8[%dma_wait3A_261, %dma_wait3A_262] : memref<2x128xi32, #tpu.memory_space<vmem>> -> memref<1x128xi32, #tpu.memory_space<vmem>>
        %dma_wait3A_264 = tpu.memref_squeeze %dma_wait3A_263 : memref<1x128xi32, #tpu.memory_space<vmem>> -> memref<128xi32, #tpu.memory_space<vmem>>
        %dma_wait3A_265 = arith.constant 0 : i32
        %dma_wait3A_266 = tpu.memref_slice %arg2[%dma_wait3A_265] : memref<163840xi32, #tpu.memory_space<hbm>> -> memref<128xi32, #tpu.memory_space<hbm>>
        %dma_wait3A_267 = arith.constant 0 : i32
        %dma_wait3A_268 = tpu.memref_slice %arg8[%dma_wait3A_261, %dma_wait3A_267] : memref<2x128xi32, #tpu.memory_space<vmem>> -> memref<1x128xi32, #tpu.memory_space<vmem>>
        %dma_wait3A_269 = tpu.memref_squeeze %dma_wait3A_268 : memref<1x128xi32, #tpu.memory_space<vmem>> -> memref<128xi32, #tpu.memory_space<vmem>>
        %dma_wait3A_270 = arith.constant 0 : i32
        %dma_wait3A_271 = tpu.memref_slice %arg2[%dma_wait3A_270] : memref<163840xi32, #tpu.memory_space<hbm>> -> memref<128xi32, #tpu.memory_space<hbm>>
        tpu.wait_dma2 semaphore(%arg12 : memref<!tpu.dma_semaphore, #tpu.memory_space<semaphore_mem>>) src(%dma_wait3A_271 : memref<128xi32, #tpu.memory_space<hbm>>) dst(%dma_wait3A_269 : memref<128xi32, #tpu.memory_space<vmem>>)
        %get3A_272 = arith.constant 1 : i32
        %get3A_273 = arith.index_cast %get3A_272 : i32 to index
        %get3A_274 = arith.constant 0 : index
        %get3A_275 = tpu.vector_load %arg7[%get3A_273, %get3A_274] {strides = array<i32>} : memref<2x128xi32, #tpu.memory_space<vmem>>, vector<1x16xi32>,
        %get3A_276 = vector.shape_cast %get3A_275 : vector<1x16xi32> to vector<16xi32>
        %add3A_277 = arith.addi %get3A_276, %broadcast_in_dim3A : vector<16xi32>
        %swap3A_278 = arith.constant 1 : i32
        %swap3A_279 = arith.index_cast %swap3A_278 : i32 to index
        %swap3A_280 = arith.constant 0 : index
        %swap3A_281 = tpu.vector_load %arg7[%swap3A_279, %swap3A_280] {strides = array<i32>} : memref<2x128xi32, #tpu.memory_space<vmem>>, vector<1x16xi32>,
        %swap3A_282 = vector.shape_cast %swap3A_281 : vector<1x16xi32> to vector<16xi32>
        %swap3A_283 = vector.shape_cast %add3A_277 : vector<16xi32> to vector<1x16xi32>
        tpu.vector_store %arg7[%swap3A_279, %swap3A_280], %swap3A_283 {strides = array<i32>} : memref<2x128xi32, #tpu.memory_space<vmem>>, vector<1x16xi32>,
        %get3A_284 = arith.constant 1 : i32
        %get3A_285 = arith.index_cast %get3A_284 : i32 to index
        %get3A_286 = arith.constant 16 : index
        %get3A_287 = tpu.vector_load %arg7[%get3A_285, %get3A_286] {strides = array<i32>} : memref<2x128xi32, #tpu.memory_space<vmem>>, vector<1x16xi32>,
        %get3A_288 = vector.shape_cast %get3A_287 : vector<1x16xi32> to vector<16xi32>
        %add3A_289 = arith.addi %get3A_288, %broadcast_in_dim3A : vector<16xi32>
        %swap3A_290 = arith.constant 1 : i32
        %swap3A_291 = arith.index_cast %swap3A_290 : i32 to index
        %swap3A_292 = arith.constant 16 : index
        %swap3A_293 = tpu.vector_load %arg7[%swap3A_291, %swap3A_292] {strides = array<i32>} : memref<2x128xi32, #tpu.memory_space<vmem>>, vector<1x16xi32>,
        %swap3A_294 = vector.shape_cast %swap3A_293 : vector<1x16xi32> to vector<16xi32>
        %swap3A_295 = vector.shape_cast %add3A_289 : vector<16xi32> to vector<1x16xi32>
        tpu.vector_store %arg7[%swap3A_291, %swap3A_292], %swap3A_295 {strides = array<i32>} : memref<2x128xi32, #tpu.memory_space<vmem>>, vector<1x16xi32>,
        %get3A_296 = arith.constant 1 : i32
        %get3A_297 = arith.index_cast %get3A_296 : i32 to index
        %get3A_298 = arith.constant 32 : index
        %get3A_299 = tpu.vector_load %arg7[%get3A_297, %get3A_298] {strides = array<i32>} : memref<2x128xi32, #tpu.memory_space<vmem>>, vector<1x16xi32>,
        %get3A_300 = vector.shape_cast %get3A_299 : vector<1x16xi32> to vector<16xi32>
        %add3A_301 = arith.addi %get3A_300, %broadcast_in_dim3A : vector<16xi32>
        %swap3A_302 = arith.constant 1 : i32
        %swap3A_303 = arith.index_cast %swap3A_302 : i32 to index
        %swap3A_304 = arith.constant 32 : index
        %swap3A_305 = tpu.vector_load %arg7[%swap3A_303, %swap3A_304] {strides = array<i32>} : memref<2x128xi32, #tpu.memory_space<vmem>>, vector<1x16xi32>,
        %swap3A_306 = vector.shape_cast %swap3A_305 : vector<1x16xi32> to vector<16xi32>
        %swap3A_307 = vector.shape_cast %add3A_301 : vector<16xi32> to vector<1x16xi32>
        tpu.vector_store %arg7[%swap3A_303, %swap3A_304], %swap3A_307 {strides = array<i32>} : memref<2x128xi32, #tpu.memory_space<vmem>>, vector<1x16xi32>,
        %get3A_308 = arith.constant 1 : i32
        %get3A_309 = arith.index_cast %get3A_308 : i32 to index
        %get3A_310 = arith.constant 48 : index
        %get3A_311 = tpu.vector_load %arg7[%get3A_309, %get3A_310] {strides = array<i32>} : memref<2x128xi32, #tpu.memory_space<vmem>>, vector<1x16xi32>,
        %get3A_312 = vector.shape_cast %get3A_311 : vector<1x16xi32> to vector<16xi32>
        %add3A_313 = arith.addi %get3A_312, %broadcast_in_dim3A : vector<16xi32>
        %swap3A_314 = arith.constant 1 : i32
        %swap3A_315 = arith.index_cast %swap3A_314 : i32 to index
        %swap3A_316 = arith.constant 48 : index
        %swap3A_317 = tpu.vector_load %arg7[%swap3A_315, %swap3A_316] {strides = array<i32>} : memref<2x128xi32, #tpu.memory_space<vmem>>, vector<1x16xi32>,
        %swap3A_318 = vector.shape_cast %swap3A_317 : vector<1x16xi32> to vector<16xi32>
        %swap3A_319 = vector.shape_cast %add3A_313 : vector<16xi32> to vector<1x16xi32>
        tpu.vector_store %arg7[%swap3A_315, %swap3A_316], %swap3A_319 {strides = array<i32>} : memref<2x128xi32, #tpu.memory_space<vmem>>, vector<1x16xi32>,
        %get3A_320 = arith.constant 1 : i32
        %get3A_321 = arith.index_cast %get3A_320 : i32 to index
        %get3A_322 = arith.constant 64 : index
        %get3A_323 = tpu.vector_load %arg7[%get3A_321, %get3A_322] {strides = array<i32>} : memref<2x128xi32, #tpu.memory_space<vmem>>, vector<1x16xi32>,
        %get3A_324 = vector.shape_cast %get3A_323 : vector<1x16xi32> to vector<16xi32>
        %add3A_325 = arith.addi %get3A_324, %broadcast_in_dim3A : vector<16xi32>
        %swap3A_326 = arith.constant 1 : i32
        %swap3A_327 = arith.index_cast %swap3A_326 : i32 to index
        %swap3A_328 = arith.constant 64 : index
        %swap3A_329 = tpu.vector_load %arg7[%swap3A_327, %swap3A_328] {strides = array<i32>} : memref<2x128xi32, #tpu.memory_space<vmem>>, vector<1x16xi32>,
        %swap3A_330 = vector.shape_cast %swap3A_329 : vector<1x16xi32> to vector<16xi32>
        %swap3A_331 = vector.shape_cast %add3A_325 : vector<16xi32> to vector<1x16xi32>
        tpu.vector_store %arg7[%swap3A_327, %swap3A_328], %swap3A_331 {strides = array<i32>} : memref<2x128xi32, #tpu.memory_space<vmem>>, vector<1x16xi32>,
        %get3A_332 = arith.constant 1 : i32
        %get3A_333 = arith.index_cast %get3A_332 : i32 to index
        %get3A_334 = arith.constant 80 : index
        %get3A_335 = tpu.vector_load %arg7[%get3A_333, %get3A_334] {strides = array<i32>} : memref<2x128xi32, #tpu.memory_space<vmem>>, vector<1x16xi32>,
        %get3A_336 = vector.shape_cast %get3A_335 : vector<1x16xi32> to vector<16xi32>
        %add3A_337 = arith.addi %get3A_336, %broadcast_in_dim3A : vector<16xi32>
        %swap3A_338 = arith.constant 1 : i32
        %swap3A_339 = arith.index_cast %swap3A_338 : i32 to index
        %swap3A_340 = arith.constant 80 : index
        %swap3A_341 = tpu.vector_load %arg7[%swap3A_339, %swap3A_340] {strides = array<i32>} : memref<2x128xi32, #tpu.memory_space<vmem>>, vector<1x16xi32>,
        %swap3A_342 = vector.shape_cast %swap3A_341 : vector<1x16xi32> to vector<16xi32>
        %swap3A_343 = vector.shape_cast %add3A_337 : vector<16xi32> to vector<1x16xi32>
        tpu.vector_store %arg7[%swap3A_339, %swap3A_340], %swap3A_343 {strides = array<i32>} : memref<2x128xi32, #tpu.memory_space<vmem>>, vector<1x16xi32>,
        %get3A_344 = arith.constant 1 : i32
        %get3A_345 = arith.index_cast %get3A_344 : i32 to index
        %get3A_346 = arith.constant 96 : index
        %get3A_347 = tpu.vector_load %arg7[%get3A_345, %get3A_346] {strides = array<i32>} : memref<2x128xi32, #tpu.memory_space<vmem>>, vector<1x16xi32>,
        %get3A_348 = vector.shape_cast %get3A_347 : vector<1x16xi32> to vector<16xi32>
        %add3A_349 = arith.addi %get3A_348, %broadcast_in_dim3A : vector<16xi32>
        %swap3A_350 = arith.constant 1 : i32
        %swap3A_351 = arith.index_cast %swap3A_350 : i32 to index
        %swap3A_352 = arith.constant 96 : index
        %swap3A_353 = tpu.vector_load %arg7[%swap3A_351, %swap3A_352] {strides = array<i32>} : memref<2x128xi32, #tpu.memory_space<vmem>>, vector<1x16xi32>,
        %swap3A_354 = vector.shape_cast %swap3A_353 : vector<1x16xi32> to vector<16xi32>
        %swap3A_355 = vector.shape_cast %add3A_349 : vector<16xi32> to vector<1x16xi32>
        tpu.vector_store %arg7[%swap3A_351, %swap3A_352], %swap3A_355 {strides = array<i32>} : memref<2x128xi32, #tpu.memory_space<vmem>>, vector<1x16xi32>,
        %get3A_356 = arith.constant 1 : i32
        %get3A_357 = arith.index_cast %get3A_356 : i32 to index
        %get3A_358 = arith.constant 112 : index
        %get3A_359 = tpu.vector_load %arg7[%get3A_357, %get3A_358] {strides = array<i32>} : memref<2x128xi32, #tpu.memory_space<vmem>>, vector<1x16xi32>,
        %get3A_360 = vector.shape_cast %get3A_359 : vector<1x16xi32> to vector<16xi32>
        %add3A_361 = arith.addi %get3A_360, %broadcast_in_dim3A : vector<16xi32>
        %swap3A_362 = arith.constant 1 : i32
        %swap3A_363 = arith.index_cast %swap3A_362 : i32 to index
        %swap3A_364 = arith.constant 112 : index
        %swap3A_365 = tpu.vector_load %arg7[%swap3A_363, %swap3A_364] {strides = array<i32>} : memref<2x128xi32, #tpu.memory_space<vmem>>, vector<1x16xi32>,
        %swap3A_366 = vector.shape_cast %swap3A_365 : vector<1x16xi32> to vector<16xi32>
        %swap3A_367 = vector.shape_cast %add3A_361 : vector<16xi32> to vector<1x16xi32>
        tpu.vector_store %arg7[%swap3A_363, %swap3A_364], %swap3A_367 {strides = array<i32>} : memref<2x128xi32, #tpu.memory_space<vmem>>, vector<1x16xi32>,
        %dma_start3A_368 = arith.constant 1 : i32
        %dma_start3A_369 = arith.constant 1 : i32
        %dma_start3A_370 = arith.constant 0 : i32
        %dma_start3A_371 = arith.constant 0 : i32
        %dma_start3A_372 = tpu.memref_slice %arg9[%dma_start3A_369, %dma_start3A_370, %dma_start3A_371] : memref<2x128x128xf32, #tpu.memory_space<vmem>> -> memref<1x128x128xf32, #tpu.memory_space<vmem>>
        %dma_start3A_373 = tpu.memref_squeeze %dma_start3A_372 : memref<1x128x128xf32, #tpu.memory_space<vmem>> -> memref<128x128xf32, #tpu.memory_space<vmem>>
        %dma_start3A_374 = arith.constant 0 : i32
        %dma_start3A_375 = tpu.memref_slice %arg7[%dma_start3A_368, %dma_start3A_374] : memref<2x128xi32, #tpu.memory_space<vmem>> -> memref<1x128xi32, #tpu.memory_space<vmem>>
        %dma_start3A_376 = tpu.memref_squeeze %dma_start3A_375 : memref<1x128xi32, #tpu.memory_space<vmem>> -> memref<128xi32, #tpu.memory_space<vmem>>
        %dma_start3A_377 = arith.constant 0 : i32
        %dma_start3A_378 = arith.constant 0 : i32
        %dma_start3A_379 = tpu.memref_slice %arg4[%dma_start3A_377, %dma_start3A_378] : memref<20000x128xf32, #tpu.memory_space<hbm>> -> memref<20000x128xf32, #tpu.memory_space<hbm>>
        tpu.enqueue_indirect_dma source(%dma_start3A_379 : memref<20000x128xf32, #tpu.memory_space<hbm>>) target(%dma_start3A_373 : memref<128x128xf32, #tpu.memory_space<vmem>>) offsets(%dma_start3A_376 : memref<128xi32, #tpu.memory_space<vmem>>) semaphore(%arg14 : memref<!tpu.dma_semaphore, #tpu.memory_space<semaphore_mem>>)
      } else {
      }
      %dma_wait3A_192 = arith.constant 0 : i32
      %dma_wait3A_193 = arith.constant 0 : i32
      %dma_wait3A_194 = arith.constant 0 : i32
      %dma_wait3A_195 = tpu.memref_slice %arg9[%dma_wait3A_192, %dma_wait3A_193, %dma_wait3A_194] : memref<2x128x128xf32, #tpu.memory_space<vmem>> -> memref<1x128x128xf32, #tpu.memory_space<vmem>>
      %dma_wait3A_196 = tpu.memref_squeeze %dma_wait3A_195 : memref<1x128x128xf32, #tpu.memory_space<vmem>> -> memref<128x128xf32, #tpu.memory_space<vmem>>
      %dma_wait3A_197 = arith.constant 0 : i32
      %dma_wait3A_198 = arith.constant 0 : i32
      %dma_wait3A_199 = tpu.memref_slice %arg4[%dma_wait3A_197, %dma_wait3A_198] : memref<20000x128xf32, #tpu.memory_space<hbm>> -> memref<128x128xf32, #tpu.memory_space<hbm>>
      %dma_wait3A_200 = arith.constant 0 : i32
      %dma_wait3A_201 = arith.constant 0 : i32
      %dma_wait3A_202 = tpu.memref_slice %arg9[%dma_wait3A_192, %dma_wait3A_200, %dma_wait3A_201] : memref<2x128x128xf32, #tpu.memory_space<vmem>> -> memref<1x128x128xf32, #tpu.memory_space<vmem>>
      %dma_wait3A_203 = tpu.memref_squeeze %dma_wait3A_202 : memref<1x128x128xf32, #tpu.memory_space<vmem>> -> memref<128x128xf32, #tpu.memory_space<vmem>>
      %dma_wait3A_204 = arith.constant 0 : i32
      %dma_wait3A_205 = arith.constant 0 : i32
      %dma_wait3A_206 = tpu.memref_slice %arg4[%dma_wait3A_204, %dma_wait3A_205] : memref<20000x128xf32, #tpu.memory_space<hbm>> -> memref<128x128xf32, #tpu.memory_space<hbm>>
      tpu.wait_dma2 semaphore(%arg13 : memref<!tpu.dma_semaphore, #tpu.memory_space<semaphore_mem>>) src(%dma_wait3A_206 : memref<128x128xf32, #tpu.memory_space<hbm>>) dst(%dma_wait3A_203 : memref<128x128xf32, #tpu.memory_space<vmem>>)
      %run_scoped3A = arith.constant 0 : i32
      %run_scoped3A_207 = arith.constant 0 : i32
      "tpu.region"() ({
        %run_scoped3A_250 = tpu.sem_alloc : memref<!tpu.dma_semaphore, #tpu.memory_space<semaphore_mem>>
        %dma_start3A_251 = arith.constant 0 : i32
        %dma_start3A_252 = arith.constant 0 : i32
        %dma_start3A_253 = tpu.memref_slice %arg9[%run_scoped3A, %dma_start3A_251, %dma_start3A_252] : memref<2x128x128xf32, #tpu.memory_space<vmem>> -> memref<1x128x128xf32, #tpu.memory_space<vmem>>
        %dma_start3A_254 = tpu.memref_squeeze %dma_start3A_253 : memref<1x128x128xf32, #tpu.memory_space<vmem>> -> memref<128x128xf32, #tpu.memory_space<vmem>>
        %dma_start3A_255 = arith.constant 0 : i32
        %dma_start3A_256 = tpu.memref_slice %arg8[%run_scoped3A_207, %dma_start3A_255] : memref<2x128xi32, #tpu.memory_space<vmem>> -> memref<1x128xi32, #tpu.memory_space<vmem>>
        %dma_start3A_257 = tpu.memref_squeeze %dma_start3A_256 : memref<1x128xi32, #tpu.memory_space<vmem>> -> memref<128xi32, #tpu.memory_space<vmem>>
        %dma_start3A_258 = arith.constant 0 : i32
        %dma_start3A_259 = arith.constant 0 : i32
        %dma_start3A_260 = tpu.memref_slice %arg10[%dma_start3A_258, %dma_start3A_259] : memref<10112x128xf32, #tpu.memory_space<vmem_shared>> -> memref<10112x128xf32, #tpu.memory_space<vmem_shared>>
        tpu.enqueue_indirect_dma source(%dma_start3A_254 : memref<128x128xf32, #tpu.memory_space<vmem>>) target(%dma_start3A_260 : memref<10112x128xf32, #tpu.memory_space<vmem_shared>>) offsets(%dma_start3A_257 : memref<128xi32, #tpu.memory_space<vmem>>) semaphore(%run_scoped3A_250 : memref<!tpu.dma_semaphore, #tpu.memory_space<semaphore_mem>>) {add = true}
        %dma_wait3A_261 = arith.constant 0 : i32
        %dma_wait3A_262 = arith.constant 0 : i32
        %dma_wait3A_263 = tpu.memref_slice %arg9[%run_scoped3A, %dma_wait3A_261, %dma_wait3A_262] : memref<2x128x128xf32, #tpu.memory_space<vmem>> -> memref<1x128x128xf32, #tpu.memory_space<vmem>>
        %dma_wait3A_264 = tpu.memref_squeeze %dma_wait3A_263 : memref<1x128x128xf32, #tpu.memory_space<vmem>> -> memref<128x128xf32, #tpu.memory_space<vmem>>
        %dma_wait3A_265 = arith.constant 0 : i32
        %dma_wait3A_266 = tpu.memref_slice %arg8[%run_scoped3A_207, %dma_wait3A_265] : memref<2x128xi32, #tpu.memory_space<vmem>> -> memref<1x128xi32, #tpu.memory_space<vmem>>
        %dma_wait3A_267 = tpu.memref_squeeze %dma_wait3A_266 : memref<1x128xi32, #tpu.memory_space<vmem>> -> memref<128xi32, #tpu.memory_space<vmem>>
        %dma_wait3A_268 = arith.constant 0 : i32
        %dma_wait3A_269 = arith.constant 0 : i32
        %dma_wait3A_270 = tpu.memref_slice %arg10[%dma_wait3A_268, %dma_wait3A_269] : memref<10112x128xf32, #tpu.memory_space<vmem_shared>> -> memref<10112x128xf32, #tpu.memory_space<vmem_shared>>
        tpu.wait_indirect_dma semaphore(%run_scoped3A_250 : memref<!tpu.dma_semaphore, #tpu.memory_space<semaphore_mem>>) src(%dma_wait3A_264 : memref<128x128xf32, #tpu.memory_space<vmem>>) dst(%dma_wait3A_270 : memref<10112x128xf32, #tpu.memory_space<vmem_shared>>)
        tpu.yield
      }) : () -> ()
      %add3A_208 = arith.constant 2 : i32
      %add3A_209 = arith.addi %add3A_187, %add3A_208 : i32
      %lt3A_210 = arith.constant 80 : i32
      %lt3A_211 = arith.cmpi slt, %add3A_209, %lt3A_210 : i32
      %convert_element_type3A_212 = arith.extui %lt3A_211 : i1 to i32
      %cond3A_213 = arith.constant 0 : i32
      %cond3A_214 = arith.cmpi ne, %convert_element_type3A_212, %cond3A_213 : i32
      scf.if %cond3A_214 {
        %add3A_250 = arith.constant 2 : i32
        %add3A_251 = arith.addi %add3A_187, %add3A_250 : i32
        %mul3A_252 = arith.constant 128 : i32
        %mul3A_253 = arith.muli %add3A_251, %mul3A_252 : i32
        %add3A_254 = arith.addi %mul3A_2, %mul3A_253 : i32
        %dma_start3A_255 = arith.constant 0 : i32
        %dma_start3A_256 = arith.constant 0 : i32
        %dma_start3A_257 = tpu.memref_slice %arg7[%dma_start3A_255, %dma_start3A_256] : memref<2x128xi32, #tpu.memory_space<vmem>> -> memref<1x128xi32, #tpu.memory_space<vmem>>
        %dma_start3A_258 = tpu.memref_squeeze %dma_start3A_257 : memref<1x128xi32, #tpu.memory_space<vmem>> -> memref<128xi32, #tpu.memory_space<vmem>>
        %dma_start3A_259 = tpu.memref_slice %arg2[%add3A_254] : memref<163840xi32, #tpu.memory_space<hbm>> -> memref<128xi32, #tpu.memory_space<hbm>>
        %dma_start3A_260 = arith.constant 0 : i32
        %dma_start3A_261 = tpu.memref_slice %arg7[%dma_start3A_255, %dma_start3A_260] : memref<2x128xi32, #tpu.memory_space<vmem>> -> memref<1x128xi32, #tpu.memory_space<vmem>>
        %dma_start3A_262 = tpu.memref_squeeze %dma_start3A_261 : memref<1x128xi32, #tpu.memory_space<vmem>> -> memref<128xi32, #tpu.memory_space<vmem>>
        %dma_start3A_263 = tpu.memref_slice %arg2[%add3A_254] : memref<163840xi32, #tpu.memory_space<hbm>> -> memref<128xi32, #tpu.memory_space<hbm>>
        tpu.enqueue_dma source(%dma_start3A_263 : memref<128xi32, #tpu.memory_space<hbm>>) target(%dma_start3A_262 : memref<128xi32, #tpu.memory_space<vmem>>) target_semaphore(%arg11 : memref<!tpu.dma_semaphore, #tpu.memory_space<semaphore_mem>>)
        %dma_start3A_264 = arith.constant 0 : i32
        %dma_start3A_265 = arith.constant 0 : i32
        %dma_start3A_266 = tpu.memref_slice %arg8[%dma_start3A_264, %dma_start3A_265] : memref<2x128xi32, #tpu.memory_space<vmem>> -> memref<1x128xi32, #tpu.memory_space<vmem>>
        %dma_start3A_267 = tpu.memref_squeeze %dma_start3A_266 : memref<1x128xi32, #tpu.memory_space<vmem>> -> memref<128xi32, #tpu.memory_space<vmem>>
        %dma_start3A_268 = tpu.memref_slice %arg3[%add3A_254] : memref<163840xi32, #tpu.memory_space<hbm>> -> memref<128xi32, #tpu.memory_space<hbm>>
        %dma_start3A_269 = arith.constant 0 : i32
        %dma_start3A_270 = tpu.memref_slice %arg8[%dma_start3A_264, %dma_start3A_269] : memref<2x128xi32, #tpu.memory_space<vmem>> -> memref<1x128xi32, #tpu.memory_space<vmem>>
        %dma_start3A_271 = tpu.memref_squeeze %dma_start3A_270 : memref<1x128xi32, #tpu.memory_space<vmem>> -> memref<128xi32, #tpu.memory_space<vmem>>
        %dma_start3A_272 = tpu.memref_slice %arg3[%add3A_254] : memref<163840xi32, #tpu.memory_space<hbm>> -> memref<128xi32, #tpu.memory_space<hbm>>
        tpu.enqueue_dma source(%dma_start3A_272 : memref<128xi32, #tpu.memory_space<hbm>>) target(%dma_start3A_271 : memref<128xi32, #tpu.memory_space<vmem>>) target_semaphore(%arg11 : memref<!tpu.dma_semaphore, #tpu.memory_space<semaphore_mem>>)
      } else {
      }
      %mul3A_215 = arith.constant 2 : i32
      %mul3A_216 = arith.muli %scan3A_183, %mul3A_215 : i32
      %add3A_217 = arith.constant 1 : i32
      %add3A_218 = arith.addi %mul3A_216, %add3A_217 : i32
      %add3A_219 = arith.constant 1 : i32
      %add3A_220 = arith.addi %add3A_218, %add3A_219 : i32
      %lt3A_221 = arith.constant 80 : i32
      %lt3A_222 = arith.cmpi slt, %add3A_220, %lt3A_221 : i32
      %convert_element_type3A_223 = arith.extui %lt3A_222 : i1 to i32
      %cond3A_224 = arith.constant 0 : i32
      %cond3A_225 = arith.cmpi ne, %convert_element_type3A_223, %cond3A_224 : i32
      scf.if %cond3A_225 {
        %dma_wait3A_250 = arith.constant 0 : i32
        %dma_wait3A_251 = arith.constant 0 : i32
        %dma_wait3A_252 = tpu.memref_slice %arg7[%dma_wait3A_250, %dma_wait3A_251] : memref<2x128xi32, #tpu.memory_space<vmem>> -> memref<1x128xi32, #tpu.memory_space<vmem>>
        %dma_wait3A_253 = tpu.memref_squeeze %dma_wait3A_252 : memref<1x128xi32, #tpu.memory_space<vmem>> -> memref<128xi32, #tpu.memory_space<vmem>>
        %dma_wait3A_254 = arith.constant 0 : i32
        %dma_wait3A_255 = tpu.memref_slice %arg2[%dma_wait3A_254] : memref<163840xi32, #tpu.memory_space<hbm>> -> memref<128xi32, #tpu.memory_space<hbm>>
        %dma_wait3A_256 = arith.constant 0 : i32
        %dma_wait3A_257 = tpu.memref_slice %arg7[%dma_wait3A_250, %dma_wait3A_256] : memref<2x128xi32, #tpu.memory_space<vmem>> -> memref<1x128xi32, #tpu.memory_space<vmem>>
        %dma_wait3A_258 = tpu.memref_squeeze %dma_wait3A_257 : memref<1x128xi32, #tpu.memory_space<vmem>> -> memref<128xi32, #tpu.memory_space<vmem>>
        %dma_wait3A_259 = arith.constant 0 : i32
        %dma_wait3A_260 = tpu.memref_slice %arg2[%dma_wait3A_259] : memref<163840xi32, #tpu.memory_space<hbm>> -> memref<128xi32, #tpu.memory_space<hbm>>
        tpu.wait_dma2 semaphore(%arg11 : memref<!tpu.dma_semaphore, #tpu.memory_space<semaphore_mem>>) src(%dma_wait3A_260 : memref<128xi32, #tpu.memory_space<hbm>>) dst(%dma_wait3A_258 : memref<128xi32, #tpu.memory_space<vmem>>)
        %dma_wait3A_261 = arith.constant 0 : i32
        %dma_wait3A_262 = arith.constant 0 : i32
        %dma_wait3A_263 = tpu.memref_slice %arg8[%dma_wait3A_261, %dma_wait3A_262] : memref<2x128xi32, #tpu.memory_space<vmem>> -> memref<1x128xi32, #tpu.memory_space<vmem>>
        %dma_wait3A_264 = tpu.memref_squeeze %dma_wait3A_263 : memref<1x128xi32, #tpu.memory_space<vmem>> -> memref<128xi32, #tpu.memory_space<vmem>>
        %dma_wait3A_265 = arith.constant 0 : i32
        %dma_wait3A_266 = tpu.memref_slice %arg2[%dma_wait3A_265] : memref<163840xi32, #tpu.memory_space<hbm>> -> memref<128xi32, #tpu.memory_space<hbm>>
        %dma_wait3A_267 = arith.constant 0 : i32
        %dma_wait3A_268 = tpu.memref_slice %arg8[%dma_wait3A_261, %dma_wait3A_267] : memref<2x128xi32, #tpu.memory_space<vmem>> -> memref<1x128xi32, #tpu.memory_space<vmem>>
        %dma_wait3A_269 = tpu.memref_squeeze %dma_wait3A_268 : memref<1x128xi32, #tpu.memory_space<vmem>> -> memref<128xi32, #tpu.memory_space<vmem>>
        %dma_wait3A_270 = arith.constant 0 : i32
        %dma_wait3A_271 = tpu.memref_slice %arg2[%dma_wait3A_270] : memref<163840xi32, #tpu.memory_space<hbm>> -> memref<128xi32, #tpu.memory_space<hbm>>
        tpu.wait_dma2 semaphore(%arg11 : memref<!tpu.dma_semaphore, #tpu.memory_space<semaphore_mem>>) src(%dma_wait3A_271 : memref<128xi32, #tpu.memory_space<hbm>>) dst(%dma_wait3A_269 : memref<128xi32, #tpu.memory_space<vmem>>)
        %get3A_272 = arith.constant 0 : i32
        %get3A_273 = arith.index_cast %get3A_272 : i32 to index
        %get3A_274 = arith.constant 0 : index
        %get3A_275 = tpu.vector_load %arg7[%get3A_273, %get3A_274] {strides = array<i32>} : memref<2x128xi32, #tpu.memory_space<vmem>>, vector<1x16xi32>,
        %get3A_276 = vector.shape_cast %get3A_275 : vector<1x16xi32> to vector<16xi32>
        %add3A_277 = arith.addi %get3A_276, %broadcast_in_dim3A : vector<16xi32>
        %swap3A_278 = arith.constant 0 : i32
        %swap3A_279 = arith.index_cast %swap3A_278 : i32 to index
        %swap3A_280 = arith.constant 0 : index
        %swap3A_281 = tpu.vector_load %arg7[%swap3A_279, %swap3A_280] {strides = array<i32>} : memref<2x128xi32, #tpu.memory_space<vmem>>, vector<1x16xi32>,
        %swap3A_282 = vector.shape_cast %swap3A_281 : vector<1x16xi32> to vector<16xi32>
        %swap3A_283 = vector.shape_cast %add3A_277 : vector<16xi32> to vector<1x16xi32>
        tpu.vector_store %arg7[%swap3A_279, %swap3A_280], %swap3A_283 {strides = array<i32>} : memref<2x128xi32, #tpu.memory_space<vmem>>, vector<1x16xi32>,
        %get3A_284 = arith.constant 0 : i32
        %get3A_285 = arith.index_cast %get3A_284 : i32 to index
        %get3A_286 = arith.constant 16 : index
        %get3A_287 = tpu.vector_load %arg7[%get3A_285, %get3A_286] {strides = array<i32>} : memref<2x128xi32, #tpu.memory_space<vmem>>, vector<1x16xi32>,
        %get3A_288 = vector.shape_cast %get3A_287 : vector<1x16xi32> to vector<16xi32>
        %add3A_289 = arith.addi %get3A_288, %broadcast_in_dim3A : vector<16xi32>
        %swap3A_290 = arith.constant 0 : i32
        %swap3A_291 = arith.index_cast %swap3A_290 : i32 to index
        %swap3A_292 = arith.constant 16 : index
        %swap3A_293 = tpu.vector_load %arg7[%swap3A_291, %swap3A_292] {strides = array<i32>} : memref<2x128xi32, #tpu.memory_space<vmem>>, vector<1x16xi32>,
        %swap3A_294 = vector.shape_cast %swap3A_293 : vector<1x16xi32> to vector<16xi32>
        %swap3A_295 = vector.shape_cast %add3A_289 : vector<16xi32> to vector<1x16xi32>
        tpu.vector_store %arg7[%swap3A_291, %swap3A_292], %swap3A_295 {strides = array<i32>} : memref<2x128xi32, #tpu.memory_space<vmem>>, vector<1x16xi32>,
        %get3A_296 = arith.constant 0 : i32
        %get3A_297 = arith.index_cast %get3A_296 : i32 to index
        %get3A_298 = arith.constant 32 : index
        %get3A_299 = tpu.vector_load %arg7[%get3A_297, %get3A_298] {strides = array<i32>} : memref<2x128xi32, #tpu.memory_space<vmem>>, vector<1x16xi32>,
        %get3A_300 = vector.shape_cast %get3A_299 : vector<1x16xi32> to vector<16xi32>
        %add3A_301 = arith.addi %get3A_300, %broadcast_in_dim3A : vector<16xi32>
        %swap3A_302 = arith.constant 0 : i32
        %swap3A_303 = arith.index_cast %swap3A_302 : i32 to index
        %swap3A_304 = arith.constant 32 : index
        %swap3A_305 = tpu.vector_load %arg7[%swap3A_303, %swap3A_304] {strides = array<i32>} : memref<2x128xi32, #tpu.memory_space<vmem>>, vector<1x16xi32>,
        %swap3A_306 = vector.shape_cast %swap3A_305 : vector<1x16xi32> to vector<16xi32>
        %swap3A_307 = vector.shape_cast %add3A_301 : vector<16xi32> to vector<1x16xi32>
        tpu.vector_store %arg7[%swap3A_303, %swap3A_304], %swap3A_307 {strides = array<i32>} : memref<2x128xi32, #tpu.memory_space<vmem>>, vector<1x16xi32>,
        %get3A_308 = arith.constant 0 : i32
        %get3A_309 = arith.index_cast %get3A_308 : i32 to index
        %get3A_310 = arith.constant 48 : index
        %get3A_311 = tpu.vector_load %arg7[%get3A_309, %get3A_310] {strides = array<i32>} : memref<2x128xi32, #tpu.memory_space<vmem>>, vector<1x16xi32>,
        %get3A_312 = vector.shape_cast %get3A_311 : vector<1x16xi32> to vector<16xi32>
        %add3A_313 = arith.addi %get3A_312, %broadcast_in_dim3A : vector<16xi32>
        %swap3A_314 = arith.constant 0 : i32
        %swap3A_315 = arith.index_cast %swap3A_314 : i32 to index
        %swap3A_316 = arith.constant 48 : index
        %swap3A_317 = tpu.vector_load %arg7[%swap3A_315, %swap3A_316] {strides = array<i32>} : memref<2x128xi32, #tpu.memory_space<vmem>>, vector<1x16xi32>,
        %swap3A_318 = vector.shape_cast %swap3A_317 : vector<1x16xi32> to vector<16xi32>
        %swap3A_319 = vector.shape_cast %add3A_313 : vector<16xi32> to vector<1x16xi32>
        tpu.vector_store %arg7[%swap3A_315, %swap3A_316], %swap3A_319 {strides = array<i32>} : memref<2x128xi32, #tpu.memory_space<vmem>>, vector<1x16xi32>,
        %get3A_320 = arith.constant 0 : i32
        %get3A_321 = arith.index_cast %get3A_320 : i32 to index
        %get3A_322 = arith.constant 64 : index
        %get3A_323 = tpu.vector_load %arg7[%get3A_321, %get3A_322] {strides = array<i32>} : memref<2x128xi32, #tpu.memory_space<vmem>>, vector<1x16xi32>,
        %get3A_324 = vector.shape_cast %get3A_323 : vector<1x16xi32> to vector<16xi32>
        %add3A_325 = arith.addi %get3A_324, %broadcast_in_dim3A : vector<16xi32>
        %swap3A_326 = arith.constant 0 : i32
        %swap3A_327 = arith.index_cast %swap3A_326 : i32 to index
        %swap3A_328 = arith.constant 64 : index
        %swap3A_329 = tpu.vector_load %arg7[%swap3A_327, %swap3A_328] {strides = array<i32>} : memref<2x128xi32, #tpu.memory_space<vmem>>, vector<1x16xi32>,
        %swap3A_330 = vector.shape_cast %swap3A_329 : vector<1x16xi32> to vector<16xi32>
        %swap3A_331 = vector.shape_cast %add3A_325 : vector<16xi32> to vector<1x16xi32>
        tpu.vector_store %arg7[%swap3A_327, %swap3A_328], %swap3A_331 {strides = array<i32>} : memref<2x128xi32, #tpu.memory_space<vmem>>, vector<1x16xi32>,
        %get3A_332 = arith.constant 0 : i32
        %get3A_333 = arith.index_cast %get3A_332 : i32 to index
        %get3A_334 = arith.constant 80 : index
        %get3A_335 = tpu.vector_load %arg7[%get3A_333, %get3A_334] {strides = array<i32>} : memref<2x128xi32, #tpu.memory_space<vmem>>, vector<1x16xi32>,
        %get3A_336 = vector.shape_cast %get3A_335 : vector<1x16xi32> to vector<16xi32>
        %add3A_337 = arith.addi %get3A_336, %broadcast_in_dim3A : vector<16xi32>
        %swap3A_338 = arith.constant 0 : i32
        %swap3A_339 = arith.index_cast %swap3A_338 : i32 to index
        %swap3A_340 = arith.constant 80 : index
        %swap3A_341 = tpu.vector_load %arg7[%swap3A_339, %swap3A_340] {strides = array<i32>} : memref<2x128xi32, #tpu.memory_space<vmem>>, vector<1x16xi32>,
        %swap3A_342 = vector.shape_cast %swap3A_341 : vector<1x16xi32> to vector<16xi32>
        %swap3A_343 = vector.shape_cast %add3A_337 : vector<16xi32> to vector<1x16xi32>
        tpu.vector_store %arg7[%swap3A_339, %swap3A_340], %swap3A_343 {strides = array<i32>} : memref<2x128xi32, #tpu.memory_space<vmem>>, vector<1x16xi32>,
        %get3A_344 = arith.constant 0 : i32
        %get3A_345 = arith.index_cast %get3A_344 : i32 to index
        %get3A_346 = arith.constant 96 : index
        %get3A_347 = tpu.vector_load %arg7[%get3A_345, %get3A_346] {strides = array<i32>} : memref<2x128xi32, #tpu.memory_space<vmem>>, vector<1x16xi32>,
        %get3A_348 = vector.shape_cast %get3A_347 : vector<1x16xi32> to vector<16xi32>
        %add3A_349 = arith.addi %get3A_348, %broadcast_in_dim3A : vector<16xi32>
        %swap3A_350 = arith.constant 0 : i32
        %swap3A_351 = arith.index_cast %swap3A_350 : i32 to index
        %swap3A_352 = arith.constant 96 : index
        %swap3A_353 = tpu.vector_load %arg7[%swap3A_351, %swap3A_352] {strides = array<i32>} : memref<2x128xi32, #tpu.memory_space<vmem>>, vector<1x16xi32>,
        %swap3A_354 = vector.shape_cast %swap3A_353 : vector<1x16xi32> to vector<16xi32>
        %swap3A_355 = vector.shape_cast %add3A_349 : vector<16xi32> to vector<1x16xi32>
        tpu.vector_store %arg7[%swap3A_351, %swap3A_352], %swap3A_355 {strides = array<i32>} : memref<2x128xi32, #tpu.memory_space<vmem>>, vector<1x16xi32>,
        %get3A_356 = arith.constant 0 : i32
        %get3A_357 = arith.index_cast %get3A_356 : i32 to index
        %get3A_358 = arith.constant 112 : index
        %get3A_359 = tpu.vector_load %arg7[%get3A_357, %get3A_358] {strides = array<i32>} : memref<2x128xi32, #tpu.memory_space<vmem>>, vector<1x16xi32>,
        %get3A_360 = vector.shape_cast %get3A_359 : vector<1x16xi32> to vector<16xi32>
        %add3A_361 = arith.addi %get3A_360, %broadcast_in_dim3A : vector<16xi32>
        %swap3A_362 = arith.constant 0 : i32
        %swap3A_363 = arith.index_cast %swap3A_362 : i32 to index
        %swap3A_364 = arith.constant 112 : index
        %swap3A_365 = tpu.vector_load %arg7[%swap3A_363, %swap3A_364] {strides = array<i32>} : memref<2x128xi32, #tpu.memory_space<vmem>>, vector<1x16xi32>,
        %swap3A_366 = vector.shape_cast %swap3A_365 : vector<1x16xi32> to vector<16xi32>
        %swap3A_367 = vector.shape_cast %add3A_361 : vector<16xi32> to vector<1x16xi32>
        tpu.vector_store %arg7[%swap3A_363, %swap3A_364], %swap3A_367 {strides = array<i32>} : memref<2x128xi32, #tpu.memory_space<vmem>>, vector<1x16xi32>,
        %dma_start3A_368 = arith.constant 0 : i32
        %dma_start3A_369 = arith.constant 0 : i32
        %dma_start3A_370 = arith.constant 0 : i32
        %dma_start3A_371 = arith.constant 0 : i32
        %dma_start3A_372 = tpu.memref_slice %arg9[%dma_start3A_369, %dma_start3A_370, %dma_start3A_371] : memref<2x128x128xf32, #tpu.memory_space<vmem>> -> memref<1x128x128xf32, #tpu.memory_space<vmem>>
        %dma_start3A_373 = tpu.memref_squeeze %dma_start3A_372 : memref<1x128x128xf32, #tpu.memory_space<vmem>> -> memref<128x128xf32, #tpu.memory_space<vmem>>
        %dma_start3A_374 = arith.constant 0 : i32
        %dma_start3A_375 = tpu.memref_slice %arg7[%dma_start3A_368, %dma_start3A_374] : memref<2x128xi32, #tpu.memory_space<vmem>> -> memref<1x128xi32, #tpu.memory_space<vmem>>
        %dma_start3A_376 = tpu.memref_squeeze %dma_start3A_375 : memref<1x128xi32, #tpu.memory_space<vmem>> -> memref<128xi32, #tpu.memory_space<vmem>>
        %dma_start3A_377 = arith.constant 0 : i32
        %dma_start3A_378 = arith.constant 0 : i32
        %dma_start3A_379 = tpu.memref_slice %arg4[%dma_start3A_377, %dma_start3A_378] : memref<20000x128xf32, #tpu.memory_space<hbm>> -> memref<20000x128xf32, #tpu.memory_space<hbm>>
        tpu.enqueue_indirect_dma source(%dma_start3A_379 : memref<20000x128xf32, #tpu.memory_space<hbm>>) target(%dma_start3A_373 : memref<128x128xf32, #tpu.memory_space<vmem>>) offsets(%dma_start3A_376 : memref<128xi32, #tpu.memory_space<vmem>>) semaphore(%arg13 : memref<!tpu.dma_semaphore, #tpu.memory_space<semaphore_mem>>)
      } else {
      }
      %dma_wait3A_226 = arith.constant 1 : i32
      %dma_wait3A_227 = arith.constant 0 : i32
      %dma_wait3A_228 = arith.constant 0 : i32
      %dma_wait3A_229 = tpu.memref_slice %arg9[%dma_wait3A_226, %dma_wait3A_227, %dma_wait3A_228] : memref<2x128x128xf32, #tpu.memory_space<vmem>> -> memref<1x128x128xf32, #tpu.memory_space<vmem>>
      %dma_wait3A_230 = tpu.memref_squeeze %dma_wait3A_229 : memref<1x128x128xf32, #tpu.memory_space<vmem>> -> memref<128x128xf32, #tpu.memory_space<vmem>>
      %dma_wait3A_231 = arith.constant 0 : i32
      %dma_wait3A_232 = arith.constant 0 : i32
      %dma_wait3A_233 = tpu.memref_slice %arg4[%dma_wait3A_231, %dma_wait3A_232] : memref<20000x128xf32, #tpu.memory_space<hbm>> -> memref<128x128xf32, #tpu.memory_space<hbm>>
      %dma_wait3A_234 = arith.constant 0 : i32
      %dma_wait3A_235 = arith.constant 0 : i32
      %dma_wait3A_236 = tpu.memref_slice %arg9[%dma_wait3A_226, %dma_wait3A_234, %dma_wait3A_235] : memref<2x128x128xf32, #tpu.memory_space<vmem>> -> memref<1x128x128xf32, #tpu.memory_space<vmem>>
      %dma_wait3A_237 = tpu.memref_squeeze %dma_wait3A_236 : memref<1x128x128xf32, #tpu.memory_space<vmem>> -> memref<128x128xf32, #tpu.memory_space<vmem>>
      %dma_wait3A_238 = arith.constant 0 : i32
      %dma_wait3A_239 = arith.constant 0 : i32
      %dma_wait3A_240 = tpu.memref_slice %arg4[%dma_wait3A_238, %dma_wait3A_239] : memref<20000x128xf32, #tpu.memory_space<hbm>> -> memref<128x128xf32, #tpu.memory_space<hbm>>
      tpu.wait_dma2 semaphore(%arg14 : memref<!tpu.dma_semaphore, #tpu.memory_space<semaphore_mem>>) src(%dma_wait3A_240 : memref<128x128xf32, #tpu.memory_space<hbm>>) dst(%dma_wait3A_237 : memref<128x128xf32, #tpu.memory_space<vmem>>)
      %run_scoped3A_241 = arith.constant 1 : i32
      %run_scoped3A_242 = arith.constant 1 : i32
      "tpu.region"() ({
        %run_scoped3A_250 = tpu.sem_alloc : memref<!tpu.dma_semaphore, #tpu.memory_space<semaphore_mem>>
        %dma_start3A_251 = arith.constant 0 : i32
        %dma_start3A_252 = arith.constant 0 : i32
        %dma_start3A_253 = tpu.memref_slice %arg9[%run_scoped3A_241, %dma_start3A_251, %dma_start3A_252] : memref<2x128x128xf32, #tpu.memory_space<vmem>> -> memref<1x128x128xf32, #tpu.memory_space<vmem>>
        %dma_start3A_254 = tpu.memref_squeeze %dma_start3A_253 : memref<1x128x128xf32, #tpu.memory_space<vmem>> -> memref<128x128xf32, #tpu.memory_space<vmem>>
        %dma_start3A_255 = arith.constant 0 : i32
        %dma_start3A_256 = tpu.memref_slice %arg8[%run_scoped3A_242, %dma_start3A_255] : memref<2x128xi32, #tpu.memory_space<vmem>> -> memref<1x128xi32, #tpu.memory_space<vmem>>
        %dma_start3A_257 = tpu.memref_squeeze %dma_start3A_256 : memref<1x128xi32, #tpu.memory_space<vmem>> -> memref<128xi32, #tpu.memory_space<vmem>>
        %dma_start3A_258 = arith.constant 0 : i32
        %dma_start3A_259 = arith.constant 0 : i32
        %dma_start3A_260 = tpu.memref_slice %arg10[%dma_start3A_258, %dma_start3A_259] : memref<10112x128xf32, #tpu.memory_space<vmem_shared>> -> memref<10112x128xf32, #tpu.memory_space<vmem_shared>>
        tpu.enqueue_indirect_dma source(%dma_start3A_254 : memref<128x128xf32, #tpu.memory_space<vmem>>) target(%dma_start3A_260 : memref<10112x128xf32, #tpu.memory_space<vmem_shared>>) offsets(%dma_start3A_257 : memref<128xi32, #tpu.memory_space<vmem>>) semaphore(%run_scoped3A_250 : memref<!tpu.dma_semaphore, #tpu.memory_space<semaphore_mem>>) {add = true}
        %dma_wait3A_261 = arith.constant 0 : i32
        %dma_wait3A_262 = arith.constant 0 : i32
        %dma_wait3A_263 = tpu.memref_slice %arg9[%run_scoped3A_241, %dma_wait3A_261, %dma_wait3A_262] : memref<2x128x128xf32, #tpu.memory_space<vmem>> -> memref<1x128x128xf32, #tpu.memory_space<vmem>>
        %dma_wait3A_264 = tpu.memref_squeeze %dma_wait3A_263 : memref<1x128x128xf32, #tpu.memory_space<vmem>> -> memref<128x128xf32, #tpu.memory_space<vmem>>
        %dma_wait3A_265 = arith.constant 0 : i32
        %dma_wait3A_266 = tpu.memref_slice %arg8[%run_scoped3A_242, %dma_wait3A_265] : memref<2x128xi32, #tpu.memory_space<vmem>> -> memref<1x128xi32, #tpu.memory_space<vmem>>
        %dma_wait3A_267 = tpu.memref_squeeze %dma_wait3A_266 : memref<1x128xi32, #tpu.memory_space<vmem>> -> memref<128xi32, #tpu.memory_space<vmem>>
        %dma_wait3A_268 = arith.constant 0 : i32
        %dma_wait3A_269 = arith.constant 0 : i32
        %dma_wait3A_270 = tpu.memref_slice %arg10[%dma_wait3A_268, %dma_wait3A_269] : memref<10112x128xf32, #tpu.memory_space<vmem_shared>> -> memref<10112x128xf32, #tpu.memory_space<vmem_shared>>
        tpu.wait_indirect_dma semaphore(%run_scoped3A_250 : memref<!tpu.dma_semaphore, #tpu.memory_space<semaphore_mem>>) src(%dma_wait3A_264 : memref<128x128xf32, #tpu.memory_space<vmem>>) dst(%dma_wait3A_270 : memref<10112x128xf32, #tpu.memory_space<vmem_shared>>)
        tpu.yield
      }) : () -> ()
      %add3A_243 = arith.constant 2 : i32
      %add3A_244 = arith.addi %add3A_218, %add3A_243 : i32
      %lt3A_245 = arith.constant 80 : i32
      %lt3A_246 = arith.cmpi slt, %add3A_244, %lt3A_245 : i32
      %convert_element_type3A_247 = arith.extui %lt3A_246 : i1 to i32
      %cond3A_248 = arith.constant 0 : i32
      %cond3A_249 = arith.cmpi ne, %convert_element_type3A_247, %cond3A_248 : i32
      scf.if %cond3A_249 {
        %add3A_250 = arith.constant 2 : i32
        %add3A_251 = arith.addi %add3A_218, %add3A_250 : i32
        %mul3A_252 = arith.constant 128 : i32
        %mul3A_253 = arith.muli %add3A_251, %mul3A_252 : i32
        %add3A_254 = arith.addi %mul3A_2, %mul3A_253 : i32
        %dma_start3A_255 = arith.constant 1 : i32
        %dma_start3A_256 = arith.constant 0 : i32
        %dma_start3A_257 = tpu.memref_slice %arg7[%dma_start3A_255, %dma_start3A_256] : memref<2x128xi32, #tpu.memory_space<vmem>> -> memref<1x128xi32, #tpu.memory_space<vmem>>
        %dma_start3A_258 = tpu.memref_squeeze %dma_start3A_257 : memref<1x128xi32, #tpu.memory_space<vmem>> -> memref<128xi32, #tpu.memory_space<vmem>>
        %dma_start3A_259 = tpu.memref_slice %arg2[%add3A_254] : memref<163840xi32, #tpu.memory_space<hbm>> -> memref<128xi32, #tpu.memory_space<hbm>>
        %dma_start3A_260 = arith.constant 0 : i32
        %dma_start3A_261 = tpu.memref_slice %arg7[%dma_start3A_255, %dma_start3A_260] : memref<2x128xi32, #tpu.memory_space<vmem>> -> memref<1x128xi32, #tpu.memory_space<vmem>>
        %dma_start3A_262 = tpu.memref_squeeze %dma_start3A_261 : memref<1x128xi32, #tpu.memory_space<vmem>> -> memref<128xi32, #tpu.memory_space<vmem>>
        %dma_start3A_263 = tpu.memref_slice %arg2[%add3A_254] : memref<163840xi32, #tpu.memory_space<hbm>> -> memref<128xi32, #tpu.memory_space<hbm>>
        tpu.enqueue_dma source(%dma_start3A_263 : memref<128xi32, #tpu.memory_space<hbm>>) target(%dma_start3A_262 : memref<128xi32, #tpu.memory_space<vmem>>) target_semaphore(%arg12 : memref<!tpu.dma_semaphore, #tpu.memory_space<semaphore_mem>>)
        %dma_start3A_264 = arith.constant 1 : i32
        %dma_start3A_265 = arith.constant 0 : i32
        %dma_start3A_266 = tpu.memref_slice %arg8[%dma_start3A_264, %dma_start3A_265] : memref<2x128xi32, #tpu.memory_space<vmem>> -> memref<1x128xi32, #tpu.memory_space<vmem>>
        %dma_start3A_267 = tpu.memref_squeeze %dma_start3A_266 : memref<1x128xi32, #tpu.memory_space<vmem>> -> memref<128xi32, #tpu.memory_space<vmem>>
        %dma_start3A_268 = tpu.memref_slice %arg3[%add3A_254] : memref<163840xi32, #tpu.memory_space<hbm>> -> memref<128xi32, #tpu.memory_space<hbm>>
        %dma_start3A_269 = arith.constant 0 : i32
        %dma_start3A_270 = tpu.memref_slice %arg8[%dma_start3A_264, %dma_start3A_269] : memref<2x128xi32, #tpu.memory_space<vmem>> -> memref<1x128xi32, #tpu.memory_space<vmem>>
        %dma_start3A_271 = tpu.memref_squeeze %dma_start3A_270 : memref<1x128xi32, #tpu.memory_space<vmem>> -> memref<128xi32, #tpu.memory_space<vmem>>
        %dma_start3A_272 = tpu.memref_slice %arg3[%add3A_254] : memref<163840xi32, #tpu.memory_space<hbm>> -> memref<128xi32, #tpu.memory_space<hbm>>
        tpu.enqueue_dma source(%dma_start3A_272 : memref<128xi32, #tpu.memory_space<hbm>>) target(%dma_start3A_271 : memref<128xi32, #tpu.memory_space<vmem>>) target_semaphore(%arg12 : memref<!tpu.dma_semaphore, #tpu.memory_space<semaphore_mem>>)
      } else {
      }
    }
    %scan3A_174 = arith.constant 40 : i32
    %barrier3A_175 = arith.constant 0 : index
    tpu.barrier barrier_id(%barrier3A_175)
    %mul3A_176 = arith.constant 632 : i32
    %mul3A_177 = arith.muli %arg1, %mul3A_176 : i32
    %mul3A_178 = arith.constant 10112 : i32
    %mul3A_179 = arith.muli %arg0, %mul3A_178 : i32
    %mul3A_180 = arith.constant 632 : i32
    %mul3A_181 = arith.muli %arg1, %mul3A_180 : i32
    %add3A_182 = arith.addi %mul3A_179, %mul3A_181 : i32
    "tpu.region"() ({
      %run_scoped3A = tpu.sem_alloc : memref<!tpu.dma_semaphore, #tpu.memory_space<semaphore_mem>>
      %dma_start3A_183 = arith.constant 0 : i32
      %dma_start3A_184 = tpu.memref_slice %arg6[%add3A_182, %dma_start3A_183] : memref<20224x128xf32, #tpu.memory_space<hbm>> -> memref<632x128xf32, #tpu.memory_space<hbm>>
      %dma_start3A_185 = arith.constant 0 : i32
      %dma_start3A_186 = tpu.memref_slice %arg10[%mul3A_177, %dma_start3A_185] : memref<10112x128xf32, #tpu.memory_space<vmem_shared>> -> memref<632x128xf32, #tpu.memory_space<vmem_shared>>
      tpu.enqueue_dma source(%dma_start3A_186 : memref<632x128xf32, #tpu.memory_space<vmem_shared>>) target(%dma_start3A_184 : memref<632x128xf32, #tpu.memory_space<hbm>>) target_semaphore(%run_scoped3A : memref<!tpu.dma_semaphore, #tpu.memory_space<semaphore_mem>>)
      %dma_wait3A_187 = arith.constant 0 : i32
      %dma_wait3A_188 = tpu.memref_slice %arg6[%add3A_182, %dma_wait3A_187] : memref<20224x128xf32, #tpu.memory_space<hbm>> -> memref<632x128xf32, #tpu.memory_space<hbm>>
      %dma_wait3A_189 = arith.constant 0 : i32
      %dma_wait3A_190 = tpu.memref_slice %arg10[%mul3A_177, %dma_wait3A_189] : memref<10112x128xf32, #tpu.memory_space<vmem_shared>> -> memref<632x128xf32, #tpu.memory_space<vmem_shared>>
      tpu.wait_dma2 semaphore(%run_scoped3A : memref<!tpu.dma_semaphore, #tpu.memory_space<semaphore_mem>>) src(%dma_wait3A_190 : memref<632x128xf32, #tpu.memory_space<vmem_shared>>) dst(%dma_wait3A_188 : memref<632x128xf32, #tpu.memory_space<hbm>>)
      tpu.yield
    }) : () -> ()
    return
  }
}

#map = affine_map<(d0, d1) -> (0)>
#map1 = affine_map<(d0, d1) -> (0, 0)>
module attributes {stable_mosaic.version = 14 : i64} {
  func.func @_deg_body(%arg0: i32, %arg1: i32, %arg2: memref<163840xi32, #tpu.memory_space<hbm>>, %arg3: memref<128x128xf32, #tpu.memory_space<hbm>>, %arg4: memref<632x128xf32, #tpu.memory_space<hbm>>, %arg5: memref<20224x128xf32, #tpu.memory_space<hbm>>, %arg6: memref<128xi32, #tpu.memory_space<vmem>>, %arg7: memref<128x128xf32, #tpu.memory_space<vmem>>, %arg8: memref<10112x128xf32, #tpu.memory_space<vmem_shared>>) attributes {dimension_semantics = [#tpu.dimension_semantics<core_parallel>, #tpu.dimension_semantics<subcore_parallel>], iteration_bounds = array<i64: 2, 16>, scalar_prefetch = 0 : i64, scratch_operands = 3 : i64, tpu.core_type = #tpu.core_type<sc_vector_subcore>, window_params = [{transform_indices = #map}, {transform_indices = #map1}, {transform_indices = #map1}, {transform_indices = #map1}]} {
    %mul3A = arith.constant 632 : i32
    %mul3A_0 = arith.muli %arg1, %mul3A : i32
    "tpu.region"() ({
      %run_scoped3A = tpu.sem_alloc : memref<!tpu.dma_semaphore, #tpu.memory_space<semaphore_mem>>
      %dma_start3A = arith.constant 0 : i32
      %dma_start3A_18 = tpu.memref_slice %arg8[%mul3A_0, %dma_start3A] : memref<10112x128xf32, #tpu.memory_space<vmem_shared>> -> memref<632x128xf32, #tpu.memory_space<vmem_shared>>
      tpu.enqueue_dma source(%arg4 : memref<632x128xf32, #tpu.memory_space<hbm>>) target(%dma_start3A_18 : memref<632x128xf32, #tpu.memory_space<vmem_shared>>) target_semaphore(%run_scoped3A : memref<!tpu.dma_semaphore, #tpu.memory_space<semaphore_mem>>)
      %dma_wait3A = arith.constant 0 : i32
      %dma_wait3A_19 = tpu.memref_slice %arg8[%mul3A_0, %dma_wait3A] : memref<10112x128xf32, #tpu.memory_space<vmem_shared>> -> memref<632x128xf32, #tpu.memory_space<vmem_shared>>
      tpu.wait_dma2 semaphore(%run_scoped3A : memref<!tpu.dma_semaphore, #tpu.memory_space<semaphore_mem>>) src(%arg4 : memref<632x128xf32, #tpu.memory_space<hbm>>) dst(%dma_wait3A_19 : memref<632x128xf32, #tpu.memory_space<vmem_shared>>)
      tpu.yield
    }) : () -> ()
    "tpu.region"() ({
      %run_scoped3A = tpu.sem_alloc : memref<!tpu.dma_semaphore, #tpu.memory_space<semaphore_mem>>
      tpu.enqueue_dma source(%arg3 : memref<128x128xf32, #tpu.memory_space<hbm>>) target(%arg7 : memref<128x128xf32, #tpu.memory_space<vmem>>) target_semaphore(%run_scoped3A : memref<!tpu.dma_semaphore, #tpu.memory_space<semaphore_mem>>)
      tpu.wait_dma2 semaphore(%run_scoped3A : memref<!tpu.dma_semaphore, #tpu.memory_space<semaphore_mem>>) src(%arg3 : memref<128x128xf32, #tpu.memory_space<hbm>>) dst(%arg7 : memref<128x128xf32, #tpu.memory_space<vmem>>)
      tpu.yield
    }) : () -> ()
    %barrier3A = arith.constant 0 : index
    tpu.barrier barrier_id(%barrier3A)
    %mul3A_1 = arith.constant 16 : i32
    %mul3A_2 = arith.muli %arg0, %mul3A_1 : i32
    %add3A = arith.addi %mul3A_2, %arg1 : i32
    %mul3A_3 = arith.constant 5120 : i32
    %mul3A_4 = arith.muli %add3A, %mul3A_3 : i32
    %scan3A = arith.constant 0 : i32
    %scan3A_5 = arith.constant 0 : i32
    %scan3A_6 = arith.constant 40 : i32
    %scan3A_7 = arith.addi %scan3A_5, %scan3A_6 : i32
    %scan3A_8 = arith.constant 1 : i32
    scf.for %scan3A_18 = %scan3A_5 to %scan3A_7 step %scan3A_8  : i32 {
      %mul3A_19 = arith.constant 128 : i32
      %mul3A_20 = arith.muli %scan3A_18, %mul3A_19 : i32
      %add3A_21 = arith.addi %mul3A_4, %mul3A_20 : i32
      "tpu.region"() ({
        %run_scoped3A = tpu.sem_alloc : memref<!tpu.dma_semaphore, #tpu.memory_space<semaphore_mem>>
        %dma_start3A = tpu.memref_slice %arg2[%add3A_21] : memref<163840xi32, #tpu.memory_space<hbm>> -> memref<128xi32, #tpu.memory_space<hbm>>
        %dma_start3A_22 = tpu.memref_slice %arg2[%add3A_21] : memref<163840xi32, #tpu.memory_space<hbm>> -> memref<128xi32, #tpu.memory_space<hbm>>
        tpu.enqueue_dma source(%dma_start3A_22 : memref<128xi32, #tpu.memory_space<hbm>>) target(%arg6 : memref<128xi32, #tpu.memory_space<vmem>>) target_semaphore(%run_scoped3A : memref<!tpu.dma_semaphore, #tpu.memory_space<semaphore_mem>>)
        %dma_wait3A = tpu.memref_slice %arg2[%add3A_21] : memref<163840xi32, #tpu.memory_space<hbm>> -> memref<128xi32, #tpu.memory_space<hbm>>
        %dma_wait3A_23 = tpu.memref_slice %arg2[%add3A_21] : memref<163840xi32, #tpu.memory_space<hbm>> -> memref<128xi32, #tpu.memory_space<hbm>>
        tpu.wait_dma2 semaphore(%run_scoped3A : memref<!tpu.dma_semaphore, #tpu.memory_space<semaphore_mem>>) src(%dma_wait3A_23 : memref<128xi32, #tpu.memory_space<hbm>>) dst(%arg6 : memref<128xi32, #tpu.memory_space<vmem>>)
        tpu.yield
      }) : () -> ()
      "tpu.region"() ({
        %run_scoped3A = tpu.sem_alloc : memref<!tpu.dma_semaphore, #tpu.memory_space<semaphore_mem>>
        %dma_start3A = arith.constant 0 : i32
        %dma_start3A_22 = arith.constant 0 : i32
        %dma_start3A_23 = tpu.memref_slice %arg8[%dma_start3A, %dma_start3A_22] : memref<10112x128xf32, #tpu.memory_space<vmem_shared>> -> memref<10112x128xf32, #tpu.memory_space<vmem_shared>>
        tpu.enqueue_indirect_dma source(%arg7 : memref<128x128xf32, #tpu.memory_space<vmem>>) target(%dma_start3A_23 : memref<10112x128xf32, #tpu.memory_space<vmem_shared>>) offsets(%arg6 : memref<128xi32, #tpu.memory_space<vmem>>) semaphore(%run_scoped3A : memref<!tpu.dma_semaphore, #tpu.memory_space<semaphore_mem>>) {add = true}
        %dma_wait3A = arith.constant 0 : i32
        %dma_wait3A_24 = arith.constant 0 : i32
        %dma_wait3A_25 = tpu.memref_slice %arg8[%dma_wait3A, %dma_wait3A_24] : memref<10112x128xf32, #tpu.memory_space<vmem_shared>> -> memref<10112x128xf32, #tpu.memory_space<vmem_shared>>
        tpu.wait_indirect_dma semaphore(%run_scoped3A : memref<!tpu.dma_semaphore, #tpu.memory_space<semaphore_mem>>) src(%arg7 : memref<128x128xf32, #tpu.memory_space<vmem>>) dst(%dma_wait3A_25 : memref<10112x128xf32, #tpu.memory_space<vmem_shared>>)
        tpu.yield
      }) : () -> ()
    }
    %scan3A_9 = arith.constant 40 : i32
    %barrier3A_10 = arith.constant 0 : index
    tpu.barrier barrier_id(%barrier3A_10)
    %mul3A_11 = arith.constant 632 : i32
    %mul3A_12 = arith.muli %arg1, %mul3A_11 : i32
    %mul3A_13 = arith.constant 10112 : i32
    %mul3A_14 = arith.muli %arg0, %mul3A_13 : i32
    %mul3A_15 = arith.constant 632 : i32
    %mul3A_16 = arith.muli %arg1, %mul3A_15 : i32
    %add3A_17 = arith.addi %mul3A_14, %mul3A_16 : i32
    "tpu.region"() ({
      %run_scoped3A = tpu.sem_alloc : memref<!tpu.dma_semaphore, #tpu.memory_space<semaphore_mem>>
      %dma_start3A = arith.constant 0 : i32
      %dma_start3A_18 = tpu.memref_slice %arg5[%add3A_17, %dma_start3A] : memref<20224x128xf32, #tpu.memory_space<hbm>> -> memref<632x128xf32, #tpu.memory_space<hbm>>
      %dma_start3A_19 = arith.constant 0 : i32
      %dma_start3A_20 = tpu.memref_slice %arg8[%mul3A_12, %dma_start3A_19] : memref<10112x128xf32, #tpu.memory_space<vmem_shared>> -> memref<632x128xf32, #tpu.memory_space<vmem_shared>>
      tpu.enqueue_dma source(%dma_start3A_20 : memref<632x128xf32, #tpu.memory_space<vmem_shared>>) target(%dma_start3A_18 : memref<632x128xf32, #tpu.memory_space<hbm>>) target_semaphore(%run_scoped3A : memref<!tpu.dma_semaphore, #tpu.memory_space<semaphore_mem>>)
      %dma_wait3A = arith.constant 0 : i32
      %dma_wait3A_21 = tpu.memref_slice %arg5[%add3A_17, %dma_wait3A] : memref<20224x128xf32, #tpu.memory_space<hbm>> -> memref<632x128xf32, #tpu.memory_space<hbm>>
      %dma_wait3A_22 = arith.constant 0 : i32
      %dma_wait3A_23 = tpu.memref_slice %arg8[%mul3A_12, %dma_wait3A_22] : memref<10112x128xf32, #tpu.memory_space<vmem_shared>> -> memref<632x128xf32, #tpu.memory_space<vmem_shared>>
      tpu.wait_dma2 semaphore(%run_scoped3A : memref<!tpu.dma_semaphore, #tpu.memory_space<semaphore_mem>>) src(%dma_wait3A_23 : memref<632x128xf32, #tpu.memory_space<vmem_shared>>) dst(%dma_wait3A_21 : memref<632x128xf32, #tpu.memory_space<hbm>>)
      tpu.yield
    }) : () -> ()
    return
  }
}

module attributes {stable_mosaic.version = 14 : i64} {
  func.func @_mm_body(%arg0: i32, %arg1: memref<2x1000x16xf32, #tpu.memory_space<vmem>>, %arg2: memref<2x1000x128xf32, #tpu.memory_space<vmem>>, %arg3: memref<2x1000x128xf32, #tpu.memory_space<vmem>>, %arg4: memref<2x128x512xf32, #tpu.memory_space<vmem>>, %arg5: memref<1x512xf32, #tpu.memory_space<vmem>>, %arg6: memref<1000x512xf32, #tpu.memory_space<vmem>>) attributes {dimension_semantics = [#tpu.dimension_semantics<arbitrary>], iteration_bounds = array<i64: 10>, scalar_prefetch = 0 : i64, scratch_operands = 0 : i64, tpu.core_type = #tpu.core_type<tc>, window_params = [{transform_indices = @transform_0, window_bounds = array<i64: 2, 1000, 16>}, {transform_indices = @transform_1, window_bounds = array<i64: 2, 1000, 128>}, {transform_indices = @transform_2, window_bounds = array<i64: 2, 1000, 128>}, {pipeline_mode = #tpu.pipeline_mode<synchronous>, transform_indices = @transform_3, window_bounds = array<i64: 2, 128, 512>}, {pipeline_mode = #tpu.pipeline_mode<synchronous>, transform_indices = @transform_4, window_bounds = array<i64: 1, 512>}, {transform_indices = @transform_5, window_bounds = array<i64: 1000, 512>}]} {
    %get3A = arith.constant 0 : index
    %get3A_0 = arith.constant 0 : index
    %get3A_1 = arith.constant 0 : index
    %get3A_2 = vector.load %arg1[%get3A, %get3A_0, %get3A_1] : memref<2x1000x16xf32, #tpu.memory_space<vmem>>, vector<1x1000x1xf32>
    %get3A_3 = vector.shape_cast %get3A_2 : vector<1x1000x1xf32> to vector<1000x1xf32>
    %get3A_4 = arith.constant 1 : index
    %get3A_5 = arith.constant 0 : index
    %get3A_6 = arith.constant 0 : index
    %get3A_7 = vector.load %arg1[%get3A_4, %get3A_5, %get3A_6] : memref<2x1000x16xf32, #tpu.memory_space<vmem>>, vector<1x1000x1xf32>
    %get3A_8 = vector.shape_cast %get3A_7 : vector<1x1000x1xf32> to vector<1000x1xf32>
    %add3A = arith.addf %get3A_3, %get3A_8 : vector<1000x1xf32>
    %add3A_9 = arith.constant 1.000000e+00 : f32
    %add3A_10 = vector.broadcast %add3A_9 : f32 to vector<1000x1xf32>
    %add3A_11 = arith.addf %add3A, %add3A_10 : vector<1000x1xf32>
    %rsqrt3A = math.rsqrt %add3A_11 : vector<1000x1xf32>
    %get3A_12 = arith.constant 0 : index
    %get3A_13 = arith.constant 0 : index
    %get3A_14 = vector.load %arg5[%get3A_12, %get3A_13] : memref<1x512xf32, #tpu.memory_space<vmem>>, vector<1x512xf32>
    %get3A_15 = arith.constant 0 : index
    %get3A_16 = arith.constant 0 : index
    %get3A_17 = arith.constant 0 : index
    %get3A_18 = vector.load %arg2[%get3A_15, %get3A_16, %get3A_17] : memref<2x1000x128xf32, #tpu.memory_space<vmem>>, vector<1x1000x128xf32>
    %get3A_19 = vector.shape_cast %get3A_18 : vector<1x1000x128xf32> to vector<1000x128xf32>
    %get3A_20 = arith.constant 0 : index
    %get3A_21 = arith.constant 0 : index
    %get3A_22 = arith.constant 0 : index
    %get3A_23 = vector.load %arg3[%get3A_20, %get3A_21, %get3A_22] : memref<2x1000x128xf32, #tpu.memory_space<vmem>>, vector<1x1000x128xf32>
    %get3A_24 = vector.shape_cast %get3A_23 : vector<1x1000x128xf32> to vector<1000x128xf32>
    %add3A_25 = arith.addf %get3A_19, %get3A_24 : vector<1000x128xf32>
    %mul3A = vector.broadcast %rsqrt3A : vector<1000x1xf32> to vector<1000x128xf32>
    %mul3A_26 = arith.mulf %mul3A, %add3A_25 : vector<1000x128xf32>
    %get3A_27 = arith.constant 0 : index
    %get3A_28 = arith.constant 0 : index
    %get3A_29 = arith.constant 0 : index
    %get3A_30 = vector.load %arg4[%get3A_27, %get3A_28, %get3A_29] : memref<2x128x512xf32, #tpu.memory_space<vmem>>, vector<1x128x512xf32>
    %get3A_31 = vector.shape_cast %get3A_30 : vector<1x128x512xf32> to vector<128x512xf32>
    %dot_general3A = arith.constant dense<0.000000e+00> : vector<1000x512xf32>
    %dot_general3A_32 = tpu.matmul %mul3A_26, %get3A_31, %dot_general3A {dimension_numbers = #tpu.dot_dimension_numbers<[1], [0], [0], [1], [0, 0, 1, 1], [], []>, transpose_lhs_hint = false} : vector<1000x128xf32>, vector<128x512xf32>, vector<1000x512xf32> -> vector<1000x512xf32>
    %add3A_33 = vector.broadcast %get3A_14 : vector<1x512xf32> to vector<1000x512xf32>
    %add3A_34 = arith.addf %add3A_33, %dot_general3A_32 : vector<1000x512xf32>
    %get3A_35 = arith.constant 1 : index
    %get3A_36 = arith.constant 0 : index
    %get3A_37 = arith.constant 0 : index
    %get3A_38 = vector.load %arg2[%get3A_35, %get3A_36, %get3A_37] : memref<2x1000x128xf32, #tpu.memory_space<vmem>>, vector<1x1000x128xf32>
    %get3A_39 = vector.shape_cast %get3A_38 : vector<1x1000x128xf32> to vector<1000x128xf32>
    %get3A_40 = arith.constant 1 : index
    %get3A_41 = arith.constant 0 : index
    %get3A_42 = arith.constant 0 : index
    %get3A_43 = vector.load %arg3[%get3A_40, %get3A_41, %get3A_42] : memref<2x1000x128xf32, #tpu.memory_space<vmem>>, vector<1x1000x128xf32>
    %get3A_44 = vector.shape_cast %get3A_43 : vector<1x1000x128xf32> to vector<1000x128xf32>
    %add3A_45 = arith.addf %get3A_39, %get3A_44 : vector<1000x128xf32>
    %mul3A_46 = vector.broadcast %rsqrt3A : vector<1000x1xf32> to vector<1000x128xf32>
    %mul3A_47 = arith.mulf %mul3A_46, %add3A_45 : vector<1000x128xf32>
    %get3A_48 = arith.constant 1 : index
    %get3A_49 = arith.constant 0 : index
    %get3A_50 = arith.constant 0 : index
    %get3A_51 = vector.load %arg4[%get3A_48, %get3A_49, %get3A_50] : memref<2x128x512xf32, #tpu.memory_space<vmem>>, vector<1x128x512xf32>
    %get3A_52 = vector.shape_cast %get3A_51 : vector<1x128x512xf32> to vector<128x512xf32>
    %dot_general3A_53 = arith.constant dense<0.000000e+00> : vector<1000x512xf32>
    %dot_general3A_54 = tpu.matmul %mul3A_47, %get3A_52, %dot_general3A_53 {dimension_numbers = #tpu.dot_dimension_numbers<[1], [0], [0], [1], [0, 0, 1, 1], [], []>, transpose_lhs_hint = false} : vector<1000x128xf32>, vector<128x512xf32>, vector<1000x512xf32> -> vector<1000x512xf32>
    %add3A_55 = arith.addf %add3A_34, %dot_general3A_54 : vector<1000x512xf32>
    %max3A = arith.constant 0.000000e+00 : f32
    %max3A_56 = vector.broadcast %max3A : f32 to vector<1000x512xf32>
    %max3A_57 = arith.maximumf %add3A_55, %max3A_56 : vector<1000x512xf32>
    %swap3A = arith.constant 0 : index
    %swap3A_58 = arith.constant 0 : index
    %swap3A_59 = vector.load %arg6[%swap3A, %swap3A_58] : memref<1000x512xf32, #tpu.memory_space<vmem>>, vector<1000x512xf32>
    tpu.vector_store %arg6[%swap3A, %swap3A_58], %max3A_57 {strides = array<i32>} : memref<1000x512xf32, #tpu.memory_space<vmem>>, vector<1000x512xf32>,
    return
  }
  func.func @transform_0(%arg0: i32) -> (i32, i32, i32) {
    %c0_i32 = arith.constant 0 : i32
    %c0_i32_0 = arith.constant 0 : i32
    %c0_i32_1 = arith.constant 0 : i32
    return %c0_i32, %arg0, %c0_i32_0 : i32, i32, i32
  }
  func.func @transform_1(%arg0: i32) -> (i32, i32, i32) {
    %c0_i32 = arith.constant 0 : i32
    %c0_i32_0 = arith.constant 0 : i32
    %c0_i32_1 = arith.constant 0 : i32
    return %c0_i32, %arg0, %c0_i32_0 : i32, i32, i32
  }
  func.func @transform_2(%arg0: i32) -> (i32, i32, i32) {
    %c0_i32 = arith.constant 0 : i32
    %c0_i32_0 = arith.constant 0 : i32
    %c0_i32_1 = arith.constant 0 : i32
    return %c0_i32, %arg0, %c0_i32_0 : i32, i32, i32
  }
  func.func @transform_3(%arg0: i32) -> (i32, i32, i32) {
    %c0_i32 = arith.constant 0 : i32
    %c0_i32_0 = arith.constant 0 : i32
    %c0_i32_1 = arith.constant 0 : i32
    %c0_i32_2 = arith.constant 0 : i32
    return %c0_i32, %c0_i32_0, %c0_i32_1 : i32, i32, i32
  }
  func.func @transform_4(%arg0: i32) -> (i32, i32) {
    %c0_i32 = arith.constant 0 : i32
    %c0_i32_0 = arith.constant 0 : i32
    %c0_i32_1 = arith.constant 0 : i32
    return %c0_i32, %c0_i32_0 : i32, i32
  }
  func.func @transform_5(%arg0: i32) -> (i32, i32) {
    %c0_i32 = arith.constant 0 : i32
    %c0_i32_0 = arith.constant 0 : i32
    return %arg0, %c0_i32 : i32, i32
  }
}

module attributes {stable_mosaic.version = 14 : i64} {
  func.func @_xs_body(%arg0: i32, %arg1: i32, %arg2: memref<2x1000x16xf32, #tpu.memory_space<vmem>>, %arg3: memref<1000x128xf32, #tpu.memory_space<vmem>>, %arg4: memref<1000x128xf32, #tpu.memory_space<vmem>>) attributes {dimension_semantics = [#tpu.dimension_semantics<arbitrary>, #tpu.dimension_semantics<arbitrary>], iteration_bounds = array<i64: 2, 10>, scalar_prefetch = 0 : i64, scratch_operands = 0 : i64, tpu.core_type = #tpu.core_type<tc>, window_params = [{transform_indices = @transform_0, window_bounds = array<i64: 2, 1000, 16>}, {transform_indices = @transform_1, window_bounds = array<i64: 1000, 128>}, {transform_indices = @transform_2, window_bounds = array<i64: 1000, 128>}]} {
    %get3A = arith.constant 0 : index
    %get3A_0 = arith.constant 0 : index
    %get3A_1 = arith.constant 0 : index
    %get3A_2 = vector.load %arg2[%get3A, %get3A_0, %get3A_1] : memref<2x1000x16xf32, #tpu.memory_space<vmem>>, vector<1x1000x1xf32>
    %get3A_3 = vector.shape_cast %get3A_2 : vector<1x1000x1xf32> to vector<1000x1xf32>
    %get3A_4 = arith.constant 1 : index
    %get3A_5 = arith.constant 0 : index
    %get3A_6 = arith.constant 0 : index
    %get3A_7 = vector.load %arg2[%get3A_4, %get3A_5, %get3A_6] : memref<2x1000x16xf32, #tpu.memory_space<vmem>>, vector<1x1000x1xf32>
    %get3A_8 = vector.shape_cast %get3A_7 : vector<1x1000x1xf32> to vector<1000x1xf32>
    %add3A = arith.addf %get3A_3, %get3A_8 : vector<1000x1xf32>
    %add3A_9 = arith.constant 1.000000e+00 : f32
    %add3A_10 = vector.broadcast %add3A_9 : f32 to vector<1000x1xf32>
    %add3A_11 = arith.addf %add3A, %add3A_10 : vector<1000x1xf32>
    %rsqrt3A = math.rsqrt %add3A_11 : vector<1000x1xf32>
    %get3A_12 = arith.constant 0 : index
    %get3A_13 = arith.constant 0 : index
    %get3A_14 = vector.load %arg3[%get3A_12, %get3A_13] : memref<1000x128xf32, #tpu.memory_space<vmem>>, vector<1000x128xf32>
    %mul3A = vector.broadcast %rsqrt3A : vector<1000x1xf32> to vector<1000x128xf32>
    %mul3A_15 = arith.mulf %mul3A, %get3A_14 : vector<1000x128xf32>
    %swap3A = arith.constant 0 : index
    %swap3A_16 = arith.constant 0 : index
    %swap3A_17 = vector.load %arg4[%swap3A, %swap3A_16] : memref<1000x128xf32, #tpu.memory_space<vmem>>, vector<1000x128xf32>
    tpu.vector_store %arg4[%swap3A, %swap3A_16], %mul3A_15 {strides = array<i32>} : memref<1000x128xf32, #tpu.memory_space<vmem>>, vector<1000x128xf32>,
    return
  }
  func.func @transform_0(%arg0: i32, %arg1: i32) -> (i32, i32, i32) {
    %c0_i32 = arith.constant 0 : i32
    %c0_i32_0 = arith.constant 0 : i32
    %c0_i32_1 = arith.constant 0 : i32
    return %c0_i32, %arg1, %c0_i32_0 : i32, i32, i32
  }
  func.func @transform_1(%arg0: i32, %arg1: i32) -> (i32, i32) {
    %c0_i32 = arith.constant 0 : i32
    return %arg1, %arg0 : i32, i32
  }
  func.func @transform_2(%arg0: i32, %arg1: i32) -> (i32, i32) {
    %mul3A = arith.constant 10 : i32
    %mul3A_0 = arith.muli %arg0, %mul3A : i32
    %add3A = arith.addi %mul3A_0, %arg1 : i32
    %c0_i32 = arith.constant 0 : i32
    %c0_i32_1 = arith.constant 0 : i32
    return %add3A, %c0_i32 : i32, i32
  }
}

</mosaic_0001>

<sc_bundles>
// kernel: kernel.6.cloned.1.call-start
scs
__scs_entry_jumppad:
0x0: {  	(pc) =	sbr.rel $0x88, $3  }
0x1: {  	(tag) =	ssettag $0x0;
	lr =	simm.s32 $0x1  }
0x2: {  	[smem:$0x3F9D] =	sst lr;
	_ =	strace $0xD0000000  }
0x3: {  	_ = 	snop  }
0x4: {  	_ = 	snop  }
0x5: {  	_ = 	snop  }
0x6: {  	_ = 	snop  }
0x7: {  	_ = 	snop  }
__scs_overlays_trampoline_lowered:
0x8: {  	[smem:$0x3FAC] =	sst s0  }
0x9: {  	[smem:$0x3FAD] =	sst s1  }
0xa: {  	[smem:$0x3FAE] =	sst s2  }
0xb: {  	[smem:$0x3FAF] =	sst s3  }
0xc: {  	[smem:$0x3FB0] =	sst s4  }
0xd: {  	[smem:$0x3FB1] =	sst s5  }
0xe: {  	[smem:$0x3FB2] =	sst s6  }
0xf: {  	[smem:$0x3FB3] =	sst s7  }
0x10: {  	[smem:$0x3FB4] =	sst s8  }
0x11: {  	[smem:$0x3FB5] =	sst s9;
	s0 =	simm.s32 @!p0 $0x0  }
0x12: {  	s1 =	sld [smem:$0x3F9B];
	s0 =	simm.s32 @p0 $0x1  }
0x13: {  	[smem:$0x3FB6] =	sst s0;
	s0 =	simm.s32 @!p1 $0x0  }
0x14: {  	s2 =	sld [smem:$0x3F9A];
	s0 =	simm.s32 @p1 $0x1  }
0x15: {  	[smem:$0x3FB7] =	sst s0;
	s0 =	simm.s32 @!p2 $0x0  }
0x16: {  	s3 =	sld [smem:$0x3FDB];
	s0 =	simm.s32 @p2 $0x1  }
0x17: {  	s4 =	simm.s32 $0x1BF5;
	[smem:$0x3FB9] =	sst s0  }
0x18: {  	s0 =	sld [smem:$0x3F9C];
	_ =	swait.ge [sflag:s4], $0x0  }
0x19: {  	s7 =	sld [smem:$0x3F9D]  }
0x1a: {  	s8 =	sadd.s32 $0xFFFFE003, lr  }
0x1b: {  	s9 =	sadd.s32 $0xFFFFFEF7, lr;
	s5 =	simm.s32 $0xFFFFFFFF;
	p2 =	slt.u32 s8, $0xFFFFF086  }
0x1c: {  	p1 =	slt.u32 s9, $0xF7A;
	s5 =	simm.s32 @!p2 $0x0  }
0x1d: {  	s5 =	simm.s32 @p1 $0x1;
	p0 =	seq.s32 s7, s2  }
0x1e: {  	s7 =	smul.u32 @!p0 $0xF7A, s2;
	p2 =	seq.s32 @!p0 s5, $0x0  }
0x1f: {  	s9 =	smul.u32 $0xF7A, s1;
	s8 =	simm.s32 @!p0 $0x1BF5;
	p2 =	por !p2, p0  }
0x20: {  	[sflag:s8] =	ssyncset.s32 @!p0 $0xFFFFF086;
	s6 =	sadd.s32 @!p0 s3, s7;
	s7 =	simm.s32 @!p0 $0x108  }
0x21: {  	s3 =	sadd.s32 s3, s9;
	s6 =	sadd.s32 @!p0 $0x88, s6;
	s7 =	simm.s32 @p2 $0x1082  }
0x22: {  	[simem:s7], [sflag:s8] =	dma.local @!p0 [hbm:s6], $0xF7A  }
0x23: {  	s9 =	sor.u32 $0xD0000000, s2;
	s6 =	simm.s32 $0x108;
	_ =	swait.ge @!p0 [sflag:s8], $0x0  }
0x24: {  	s3 =	sadd.s32 $0x88, s3;
	s6 =	simm.s32 @!p1 $0x1082;
	[sflag:s4] =	ssyncset.s32 $0xFFFFF086  }
0x25: {  	[simem:s6], [sflag:s4] =	dma.local [hbm:s3], $0xF7A  }
0x26: {  	[smem:$0x3F9D] =	sst s1;
	(tag) =	ssettag s2;
	_ =	strace s9  }
0x27: {  	s1 =	sld [smem:$0x3FAD]  }
0x28: {  	s2 =	sld [smem:$0x3FAE]  }
0x29: {  	s4 =	sld [smem:$0x3FB0]  }
0x2a: {  	p0 =	seq.s32 s5, $0x0;
	s5 =	sld [smem:$0x3FB1]  }
0x2b: {  	s6 =	sld [smem:$0x3FB2]  }
0x2c: {  	s7 =	sld [smem:$0x3FB3]  }
0x2d: {  	s3 =	simm.s32 $0x108;
	s8 =	sld [smem:$0x3FB4]  }
0x2e: {  	s3 =	simm.s32 @!p0 $0x1082;
	s9 =	sld [smem:$0x3FB5]  }
0x2f: {  	lr =	sadd.s32 s0, s3;
	s0 =	sld [smem:$0x3FAC]  }
0x30: {  	s3 =	sld [smem:$0x3FAF]  }
0x31: {  	[smem:$0x3FB8] =	sst s10  }
0x32: {  	s10 =	sld [smem:$0x3FB6];
	_ =	sdelay $0x3  }
0x33: {  	p0 =	seq.s32 s10, $0x1;
	s10 =	sld [smem:$0x3FB8];
	_ =	sdelay $0x3  }
0x34: {  	[smem:$0x3FB8] =	sst s10  }
0x35: {  	s10 =	sld [smem:$0x3FB7];
	_ =	sdelay $0x3  }
0x36: {  	p1 =	seq.s32 s10, $0x1;
	s10 =	sld [smem:$0x3FB8];
	_ =	sdelay $0x3  }
0x37: {  	[smem:$0x3FB8] =	sst s10  }
0x38: {  	s10 =	sld [smem:$0x3FB9]  }
0x39: {  	_ = 	snop;
	(pc) =	sbr.ind lr, $3  }
0x3a: {  	_ = 	snop  }
0x3b: {  	_ = 	snop  }
0x3c: {  	p2 =	seq.s32 s10, $0x1;
	s10 =	sld [smem:$0x3FB8]  }
0x3d: {  	_ =	shalt  }
0x3e: {  	_ =	shalt  }
0x3f: {  	_ =	shalt  }
0x40: {  	_ =	shalt  }
0x41: {  	_ =	shalt  }
0x42: {  	_ =	shalt  }
0x43: {  	_ =	shalt  }
0x44: {  	_ =	shalt  }
0x45: {  	_ =	shalt  }
0x46: {  	_ =	shalt  }
0x47: {  	_ =	shalt  }
0x48: {  	_ =	shalt  }
0x49: {  	_ =	shalt  }
0x4a: {  	_ =	shalt  }
0x4b: {  	_ =	shalt  }
0x4c: {  	_ =	shalt  }
0x4d: {  	_ =	shalt  }
0x4e: {  	_ =	shalt  }
0x4f: {  	_ =	shalt  }
0x50: {  	_ =	shalt  }
0x51: {  	_ =	shalt  }
0x52: {  	_ =	shalt  }
0x53: {  	_ =	shalt  }
0x54: {  	_ =	shalt  }
0x55: {  	_ =	shalt  }
0x56: {  	_ =	shalt  }
0x57: {  	_ =	shalt  }
0x58: {  	_ =	shalt  }
0x59: {  	_ =	shalt  }
0x5a: {  	_ =	shalt  }
0x5b: {  	_ =	shalt  }
0x5c: {  	_ =	shalt  }
0x5d: {  	_ =	shalt  }
0x5e: {  	_ =	shalt  }
0x5f: {  	_ =	shalt  }
0x60: {  	_ =	shalt  }
0x61: {  	_ =	shalt  }
0x62: {  	_ =	shalt  }
0x63: {  	_ =	shalt  }
0x64: {  	_ =	shalt  }
0x65: {  	_ =	shalt  }
0x66: {  	_ =	shalt  }
0x67: {  	_ =	shalt  }
0x68: {  	_ =	shalt  }
0x69: {  	_ =	shalt  }
0x6a: {  	_ =	shalt  }
0x6b: {  	_ =	shalt  }
0x6c: {  	_ =	shalt  }
0x6d: {  	_ =	shalt  }
0x6e: {  	_ =	shalt  }
0x6f: {  	_ =	shalt  }
0x70: {  	_ =	shalt  }
0x71: {  	_ =	shalt  }
0x72: {  	_ =	shalt  }
0x73: {  	_ =	shalt  }
0x74: {  	_ =	shalt  }
0x75: {  	_ =	shalt  }
0x76: {  	_ =	shalt  }
0x77: {  	_ =	shalt  }
0x78: {  	_ =	shalt  }
0x79: {  	_ =	shalt  }
0x7a: {  	_ =	shalt  }
0x7b: {  	_ =	shalt  }
0x7c: {  	_ =	shalt  }
0x7d: {  	_ =	shalt  }
0x7e: {  	_ =	shalt  }
0x7f: {  	_ =	shalt  }
0x80: {  	_ =	shalt  }
0x81: {  	_ =	shalt  }
0x82: {  	_ =	shalt  }
0x83: {  	_ =	shalt  }
0x84: {  	_ =	shalt  }
0x85: {  	_ =	shalt  }
0x86: {  	_ =	shalt  }
0x87: {  	_ =	shalt  }
.Lfunc_end0:
.L_simem_size_0:
called_computation_lowered:
.L_overlay_start_0:
0x88: {  	s2 =	sld [smem:$0x3FD9]  }
0x89: {  	s3 =	sld [smem:$0x3FFE];
	_ =	sdelay $0x1  }
0x8a: {  	s1 =	srdreg.scid  }
0x8b: {  	s0 =	sand.u32 $0x1, s1  }
0x8c: {  	s17 =	sshll.u32 s0, $0xA;
	s2 =	sadd.s32 s3, s2  }
0x8d: {  	s2 =	sadd.s32 s2, s17  }
0x8e: {  	[smem:$0x3FC4] =	sst s2  }
0x8f: {  	_ = 	snop  }
0x90: {  	s2 =	sld [smem:$0x3FD0];
	(tm) =	ssettm $0x1  }
0x91: {  	s18 =	sld [smem:$0x3FFB];
	_ =	sdelay $0x3  }
0x92: {  	_ =	strace s18  }
0x93: {  	s3 =	sld [smem:$0x3FFC];
	_ =	sdelay $0x3  }
0x94: {  	_ =	strace s3  }
0x95: {  	s3 =	sld [smem:$0x3FFD];
	_ =	sdelay $0x3  }
0x96: {  	_ =	strace s3  }
0x97: {  	_ =	strace $0x8FFFFFFF  }
0x98: {  	s19 =	sld [smem:$0x3FDB];
	_ =	sdelay $0x1  }
0x99: {  	s4 =	simm.s32 $_scs_section_size  }
0x9a: {  	s5 =	simm.s32 $_size__tile_overlayer_lowered;
	s6 =	simm.s32 $_tile_overlayer_lowered  }
0x9b: {  	s22 =	simm.s32 $0x1BFF;
	s21 =	sshll.u32 s6, $0x1;
	s3 =	sadd.s32 s4, s19  }
0x9c: {  	s7 =	simm.s32 $0x0;
	s20 =	sshll.u32 s5, $0x1;
	s5 =	sadd.s32 s21, s3  }
0x9d: {  	[timem:s7], [sflag:s22] =	dma.local [hbm:s5], s20  }
0x9e: {  	_ =	swait.ge [sflag:s22], s20  }
0x9f: {  	s4 =	ssub.s32 $0x0, s20;
	[sflag:s22] =	ssyncset.done $0x0  }
0xa0: {  	[sflag:s22] =	ssyncadd.s32 s4;
	_ =	sdelay $0x1  }
0xa1: {  	s23 =	simm.s32 $0x1B8B  }
0xa2: {  	_ =	swait.ge [sflag:s23], $0x1  }
0xa3: {  	[sflag:s23] =	ssyncset.done $0x0  }
0xa4: {  	s25 =	simm.s32 $0x1B8E;
	s24 =	sld [smem:$0x3FFE];
	[sflag:s23] =	ssyncadd.s32 $0xFFFFFFFF  }
0xa5: {  	s26 =	simm.s32 $execute0_lowered;
	[smem:$0x3FD2] =	sst s25  }
0xa6: {  	s5 =	sshll.u32 s26, $0x1;
	_ =	strace $0x80000046;
	[dreg:$0x1] =	wrdreg $0xFFFFFFFF  }
0xa7: {  	s28 =	simm.s32 $_size_execute0_lowered;
	s3 =	sadd.s32 s3, s5;
	[dreg:$0x0] =	wrdreg $0x0  }
0xa8: {  	s5 =	sshll.u32 s28, $0x1;
	[dreg:$0x2] =	wrdreg s3  }
0xa9: {  	[dreg:$0x3] =	wrdreg s5  }
0xaa: {  	[dreg:$0x4] =	wrdreg $0xC0  }
0xab: {  	_ =	task [dreg:s7], $0x5FFFF  }
0xac: {  	[dreg:$0x1] =	wrdreg $0xFFFFFFFF  }
0xad: {  	[dreg:$0x0] =	wrdreg $0x60  }
0xae: {  	[dreg:$0x2] =	wrdreg s24  }
0xaf: {  	[dreg:$0x3] =	wrdreg s2  }
0xb0: {  	[dreg:$0x4] =	wrdreg $0x40800  }
0xb1: {  	[dreg:$0x5] =	wrdreg $0x9  }
0xb2: {  	_ =	task.clear_ibuf [dreg:s7], $0x6FFFF;
	_ =	strace $0x90000046  }
0xb3: {  	s29 =	simm.s32 $0x9;
	_ =	strace $0x80000048  }
0xb4: {  	_ =	swait.ge [sflag:s29], $0x1  }
0xb5: {  	[sflag:s29] =	ssyncadd.s32 $0xFFFFFFFF  }
0xb6: {  	_ =	strace $0x90000048  }
0xb7: {  	_ =	sfence  }
0xb8: {  	s30 =	sld [smem:$0x0];
	_ =	sdelay $0x2  }
0xb9: {  	s31 =	sshll.u32 s1, $0xD;
	s1 =	sshrl.u32 s1, $0x2  }
0xba: {  	s3 =	sand.u32 $0x4000, s31;
	s1 =	sadd.s32 s1, s30  }
0xbb: {  	s0 =	sor.u32 s3, s0;
	s1 =	sshll.u32 s1, $0x11  }
0xbc: {  	s0 =	sor.u32 s1, s0  }
0xbd: {  	s0 =	sadd.s32 $0x8F2B, s0  }
0xbe: {  	[sflag:s0] =	ssyncadd.remote.s32 $0x1  }
0xbf: {  	_ =	sfence.sel $0xFFFF  }
0xc0: {  	[dreg:$0x0] =	wrdreg $0xFFFFFFFF;
	(pc) =	sbr.abs _section_cstart, $3  }
0xc1: {  	[dreg:$0x1] =	wrdreg $0xFFFFFFFF  }
0xc2: {  	_ =	task.clear_ibuf [dreg:s7], $0x2FFFF;
	_ =	strace $0x9FFFFFFF  }
0xc3: {  	(tm) =	ssettm $0x7FFFFFFF  }
tec
execute0_lowered:
.L_overlay_start_1:
0x0: {  	(tag) =	ssettag $0x1  }
0x1: {  	s5 =	rddreg [dreg:$0x0]  }
0x2: {  	s7 =	rddreg [dreg:$0x1]  }
0x3: {  	s0 =	srdreg.scid;
	s2 =	stileid.u32  }
0x4: {  	s1 =	rddreg [dreg:$0x2];
	s3 =	simm.s32 $0x0;
	s9 =	smul.u32 $0x2780, s2  }
0x5: {  	s6 =	sand.u32 $0x1, s0;
	s0 =	rddreg [dreg:$0x3];
	s11 =	smul.u32 $0x4F000, s2  }
0x6: {  	[smem:$0x7FF] =	sst s3;
	s30 =	smul.u32 $0x280, s2;
	s13 =	sshll.u32 s2, $0x6  }
0x7: {  	s4 =	smul.u32 $0x2800, s6;
	_ =	strace $0x80000047;
	s10 =	ssub.s32 $0x2, s6  }
0x8: {  	s6 =	smul.u32 $0x27800, s6;
	s12 =	sshrl.u32 s10, $0x1;
	s11 =	sshrl.u32 s11, $0x2  }
0x9: {  	s8 =	sadd.s32 s4, s5;
	s4 =	sadd.s32 $0x5800, s5;
	s5 =	sadd.s32 $0x6000, s5  }
0xa: {  	s10 =	ssub.s32 s10, s12;
	s11 =	sadd.s32 s11, s1;
	s9 =	sadd.s32 s9, s6  }
0xb: {  	s6 =	sor.u32 $0x1C01, s13;
	s12 =	simm.s32 $0x80;
	s13 =	simm.s32 $0x0  }
0xc: {  	s7 =	sadd.s32 s7, s9;
	s31 =	sadd.s32 s30, s8;
	s8 =	smax.u32 s10, $0x1  }
0xd: {  	s10 =	sshrl.u32 s11, $0x3;
	s11 =	simm.s32 $0x1;
	s9 =	sadd.s32 $0x800, s31  }
.LBB2_1:
0xe: {  	[spmem:s10], [sflag:s6] =	dma.local [hbm:s5], $0x2780  }
0xf: {  	_ =	swait.ge [sflag:s11], $0x2780  }
0x10: {  	[sflag:s11] =	ssyncset.done $0x0  }
0x11: {  	[sflag:s11] =	ssyncadd.s32 $0xFFFFD880  }
0x12: {  	[tilespmem:s12], [sflag:$0x1] =	stream.linear.gather [hbm4b:s4+s3], $0x4000, $0x38;
	[tilespmem:$0x17C80] =	vst v63  }
0x13: {  	_ =	swait.ge [sflag:s11], $0x4000  }
0x14: {  	[sflag:s11] =	ssyncset.done $0x0  }
0x15: {  	[sflag:s11] =	ssyncadd.s32 $0xFFFFC000  }
0x16: {  	s14 =	sadd.s32 $0x0, s9;
	[bflag:$0x0] =	sbarrier.arrive $0xFFFF  }
0x17: {  	[tilespmem:s3], [sflag:$0x1] =	stream.linear.gather [hbm4b:s14+s3], $0x80, $0x38;
	[tilespmem:$0x17C80] =	vst v63  }
0x18: {  	_ =	swait.ge [sflag:s11], $0x80  }
0x19: {  	[sflag:s11] =	ssyncset.done $0x0  }
0x1a: {  	[sflag:s11] =	ssyncadd.s32 $0xFFFFFF80  }
0x1b: {  	[spmem:s1] =	stream.indirect.scatter.add.f32 [tilespmem:s12], [sflag:$0x1], $0x80, s3, s12, $0xb8;
	[tilespmem:$0x17C80] =	vst v63  }
0x1c: {  	_ =	swait.ge [sflag:s11], $0x4000  }
0x1d: {  	s15 =	simm.s32 $0x20;
	s14 =	simm.s32 $0x10;
	[sflag:s11] =	ssyncset.done $0x0  }
.LBB2_2:
0x1e: {  	s16 =	sadd.s32 s14, s9  }
0x1f: {  	[sflag:s11] =	ssyncadd.s32 $0xFFFFC000;
	s14 =	smov.u32 s15;
	s17 =	sadd.s32 $0x10, s15  }
0x20: {  	[tilespmem:s3], [sflag:$0x1] =	stream.linear.gather [hbm4b:s16+s3], $0x80, $0x38;
	[tilespmem:$0x17C80] =	vst v63  }
0x21: {  	p0 =	sne.s32 s15, $0x270;
	_ =	swait.ge [sflag:s11], $0x80  }
.Ltmp0:
0x22: {  	[sflag:s11] =	ssyncset.done $0x0;
	(pc) =	sbr.rel @p0 .LBB2_2-.Ltmp0, $4  }
0x23: {  	[sflag:s11] =	ssyncadd.s32 $0xFFFFFF80  }
0x24: {  	[spmem:s1] =	stream.indirect.scatter.add.f32 [tilespmem:s12], [sflag:$0x1], $0x80, s3, s12, $0xb8;
	[tilespmem:$0x17C80] =	vst v63  }
0x25: {  	_ =	swait.ge [sflag:s11], $0x4000  }
0x26: {  	s15 =	smov.u32 s17;
	[sflag:s11] =	ssyncset.done $0x0  }
0x27: {  	s14 =	sadd.s32 s14, s9;
	[sflag:s11] =	ssyncadd.s32 $0xFFFFC000  }
0x28: {  	[tilespmem:s3], [sflag:$0x1] =	stream.linear.gather [hbm4b:s14+s3], $0x80, $0x38;
	[tilespmem:$0x17C80] =	vst v63  }
0x29: {  	_ =	swait.ge [sflag:s11], $0x80  }
0x2a: {  	[sflag:s11] =	ssyncset.done $0x0  }
0x2b: {  	[sflag:s11] =	ssyncadd.s32 $0xFFFFFF80  }
0x2c: {  	[spmem:s1] =	stream.indirect.scatter.add.f32 [tilespmem:s12], [sflag:$0x1], $0x80, s3, s12, $0xb8;
	[tilespmem:$0x17C80] =	vst v63  }
0x2d: {  	_ =	swait.ge [sflag:s11], $0x4000  }
0x2e: {  	s13 =	sadd.s32 $0x1, s13;
	[sflag:s11] =	ssyncset.done $0x0  }
0x2f: {  	p0 =	sne.s32 s13, s8;
	[sflag:s11] =	ssyncadd.s32 $0xFFFFC000  }
.Ltmp1:
0x30: {  	[bflag:$0x0] =	sbarrier.arrive $0xFFFF;
	(pc) =	sbr.rel @p0 .LBB2_1-.Ltmp1, $4  }
0x31: {  	[hbm:s7], [sflag:s6] =	dma.local [spmem:s10], $0x2780  }
0x32: {  	_ =	swait.ge [sflag:s11], $0x2780  }
0x33: {  	[sflag:s11] =	ssyncset.done $0x0  }
0x34: {  	[sflag:s11] =	ssyncadd.s32 $0xFFFFD880  }
0x35: {  	_ =	sfence.sel $0x180000  }
0x36: {  	[bflag:$0x0] =	sbarrier.arrive $0xFFFF  }
0x37: {  	p0 =	sne.s32 s2, $0x0;
	_ =	strace $0x90000047  }
0x38: {  	s0 =	sadd.s32 @!p0 $0x100000, s0;
	[bflag:$0x2] =	sbarrier.arrive $0xFFFF  }
0x39: {  	[sflag:s0] =	ssyncadd.tile.s32 @!p0 $0x1;
	_ =	shalt  }
.Lfunc_end2:
_tile_overlayer_lowered:
.L_overlay_start_2:
0x3a: {  	(tag) =	ssettag $0x2  }
0x3b: {  	s0 =	rddreg [dreg:$0x0];
	s2 =	stileid.u32  }
0x3c: {  	s1 =	rddreg [dreg:$0x1];
	p0 =	sne.s32 s2, $0x0  }
0x3d: {  	s3 =	rddreg [dreg:$0x2];
	[bflag:$0x3] =	sbarrier.arrive $0xFFFF;
	s2 =	simm.s32 @!p0 $0x1C01  }
0x3e: {  	[timem:s3], [sflag:s2] =	dma.local @!p0 [hbm:s0], s1  }
0x3f: {  	s0 =	simm.s32 @!p0 $0x1  }
0x40: {  	_ =	swait.ge @!p0 [sflag:s0], s1  }
0x41: {  	s1 =	ssub.s32 @!p0 $0x0, s1;
	[sflag:s0] =	ssyncset.done @!p0 $0x0  }
0x42: {  	[sflag:s0] =	ssyncadd.s32 @!p0 s1  }
0x43: {  	[bflag:$0x3] =	sbarrier.arrive $0xFFFF  }
0x44: {  	_ =	shalt  }

// kernel: kernel.9.cloned.1.call-start
scs
__scs_entry_jumppad:
0x0: {  	(pc) =	sbr.rel $0x88, $3  }
0x1: {  	(tag) =	ssettag $0x0;
	lr =	simm.s32 $0x1  }
0x2: {  	[smem:$0x3F9D] =	sst lr;
	_ =	strace $0xD0000000  }
0x3: {  	_ = 	snop  }
0x4: {  	_ = 	snop  }
0x5: {  	_ = 	snop  }
0x6: {  	_ = 	snop  }
0x7: {  	_ = 	snop  }
__scs_overlays_trampoline_lowered:
0x8: {  	[smem:$0x3FAC] =	sst s0  }
0x9: {  	[smem:$0x3FAD] =	sst s1  }
0xa: {  	[smem:$0x3FAE] =	sst s2  }
0xb: {  	[smem:$0x3FAF] =	sst s3  }
0xc: {  	[smem:$0x3FB0] =	sst s4  }
0xd: {  	[smem:$0x3FB1] =	sst s5  }
0xe: {  	[smem:$0x3FB2] =	sst s6  }
0xf: {  	[smem:$0x3FB3] =	sst s7  }
0x10: {  	[smem:$0x3FB4] =	sst s8  }
0x11: {  	[smem:$0x3FB5] =	sst s9;
	s0 =	simm.s32 @!p0 $0x0  }
0x12: {  	s1 =	sld [smem:$0x3F9B];
	s0 =	simm.s32 @p0 $0x1  }
0x13: {  	[smem:$0x3FB6] =	sst s0;
	s0 =	simm.s32 @!p1 $0x0  }
0x14: {  	s2 =	sld [smem:$0x3F9A];
	s0 =	simm.s32 @p1 $0x1  }
0x15: {  	[smem:$0x3FB7] =	sst s0;
	s0 =	simm.s32 @!p2 $0x0  }
0x16: {  	s3 =	sld [smem:$0x3FDB];
	s0 =	simm.s32 @p2 $0x1  }
0x17: {  	s4 =	simm.s32 $0x1BF5;
	[smem:$0x3FB9] =	sst s0  }
0x18: {  	s0 =	sld [smem:$0x3F9C];
	_ =	swait.ge [sflag:s4], $0x0  }
0x19: {  	s7 =	sld [smem:$0x3F9D]  }
0x1a: {  	s8 =	sadd.s32 $0xFFFFE003, lr  }
0x1b: {  	s9 =	sadd.s32 $0xFFFFFEF7, lr;
	s5 =	simm.s32 $0xFFFFFFFF;
	p2 =	slt.u32 s8, $0xFFFFF086  }
0x1c: {  	p1 =	slt.u32 s9, $0xF7A;
	s5 =	simm.s32 @!p2 $0x0  }
0x1d: {  	s5 =	simm.s32 @p1 $0x1;
	p0 =	seq.s32 s7, s2  }
0x1e: {  	s7 =	smul.u32 @!p0 $0xF7A, s2;
	p2 =	seq.s32 @!p0 s5, $0x0  }
0x1f: {  	s9 =	smul.u32 $0xF7A, s1;
	s8 =	simm.s32 @!p0 $0x1BF5;
	p2 =	por !p2, p0  }
0x20: {  	[sflag:s8] =	ssyncset.s32 @!p0 $0xFFFFF086;
	s6 =	sadd.s32 @!p0 s3, s7;
	s7 =	simm.s32 @!p0 $0x108  }
0x21: {  	s3 =	sadd.s32 s3, s9;
	s6 =	sadd.s32 @!p0 $0x88, s6;
	s7 =	simm.s32 @p2 $0x1082  }
0x22: {  	[simem:s7], [sflag:s8] =	dma.local @!p0 [hbm:s6], $0xF7A  }
0x23: {  	s9 =	sor.u32 $0xD0000000, s2;
	s6 =	simm.s32 $0x108;
	_ =	swait.ge @!p0 [sflag:s8], $0x0  }
0x24: {  	s3 =	sadd.s32 $0x88, s3;
	s6 =	simm.s32 @!p1 $0x1082;
	[sflag:s4] =	ssyncset.s32 $0xFFFFF086  }
0x25: {  	[simem:s6], [sflag:s4] =	dma.local [hbm:s3], $0xF7A  }
0x26: {  	[smem:$0x3F9D] =	sst s1;
	(tag) =	ssettag s2;
	_ =	strace s9  }
0x27: {  	s1 =	sld [smem:$0x3FAD]  }
0x28: {  	s2 =	sld [smem:$0x3FAE]  }
0x29: {  	s4 =	sld [smem:$0x3FB0]  }
0x2a: {  	p0 =	seq.s32 s5, $0x0;
	s5 =	sld [smem:$0x3FB1]  }
0x2b: {  	s6 =	sld [smem:$0x3FB2]  }
0x2c: {  	s7 =	sld [smem:$0x3FB3]  }
0x2d: {  	s3 =	simm.s32 $0x108;
	s8 =	sld [smem:$0x3FB4]  }
0x2e: {  	s3 =	simm.s32 @!p0 $0x1082;
	s9 =	sld [smem:$0x3FB5]  }
0x2f: {  	lr =	sadd.s32 s0, s3;
	s0 =	sld [smem:$0x3FAC]  }
0x30: {  	s3 =	sld [smem:$0x3FAF]  }
0x31: {  	[smem:$0x3FB8] =	sst s10  }
0x32: {  	s10 =	sld [smem:$0x3FB6];
	_ =	sdelay $0x3  }
0x33: {  	p0 =	seq.s32 s10, $0x1;
	s10 =	sld [smem:$0x3FB8];
	_ =	sdelay $0x3  }
0x34: {  	[smem:$0x3FB8] =	sst s10  }
0x35: {  	s10 =	sld [smem:$0x3FB7];
	_ =	sdelay $0x3  }
0x36: {  	p1 =	seq.s32 s10, $0x1;
	s10 =	sld [smem:$0x3FB8];
	_ =	sdelay $0x3  }
0x37: {  	[smem:$0x3FB8] =	sst s10  }
0x38: {  	s10 =	sld [smem:$0x3FB9]  }
0x39: {  	_ = 	snop;
	(pc) =	sbr.ind lr, $3  }
0x3a: {  	_ = 	snop  }
0x3b: {  	_ = 	snop  }
0x3c: {  	p2 =	seq.s32 s10, $0x1;
	s10 =	sld [smem:$0x3FB8]  }
0x3d: {  	_ =	shalt  }
0x3e: {  	_ =	shalt  }
0x3f: {  	_ =	shalt  }
0x40: {  	_ =	shalt  }
0x41: {  	_ =	shalt  }
0x42: {  	_ =	shalt  }
0x43: {  	_ =	shalt  }
0x44: {  	_ =	shalt  }
0x45: {  	_ =	shalt  }
0x46: {  	_ =	shalt  }
0x47: {  	_ =	shalt  }
0x48: {  	_ =	shalt  }
0x49: {  	_ =	shalt  }
0x4a: {  	_ =	shalt  }
0x4b: {  	_ =	shalt  }
0x4c: {  	_ =	shalt  }
0x4d: {  	_ =	shalt  }
0x4e: {  	_ =	shalt  }
0x4f: {  	_ =	shalt  }
0x50: {  	_ =	shalt  }
0x51: {  	_ =	shalt  }
0x52: {  	_ =	shalt  }
0x53: {  	_ =	shalt  }
0x54: {  	_ =	shalt  }
0x55: {  	_ =	shalt  }
0x56: {  	_ =	shalt  }
0x57: {  	_ =	shalt  }
0x58: {  	_ =	shalt  }
0x59: {  	_ =	shalt  }
0x5a: {  	_ =	shalt  }
0x5b: {  	_ =	shalt  }
0x5c: {  	_ =	shalt  }
0x5d: {  	_ =	shalt  }
0x5e: {  	_ =	shalt  }
0x5f: {  	_ =	shalt  }
0x60: {  	_ =	shalt  }
0x61: {  	_ =	shalt  }
0x62: {  	_ =	shalt  }
0x63: {  	_ =	shalt  }
0x64: {  	_ =	shalt  }
0x65: {  	_ =	shalt  }
0x66: {  	_ =	shalt  }
0x67: {  	_ =	shalt  }
0x68: {  	_ =	shalt  }
0x69: {  	_ =	shalt  }
0x6a: {  	_ =	shalt  }
0x6b: {  	_ =	shalt  }
0x6c: {  	_ =	shalt  }
0x6d: {  	_ =	shalt  }
0x6e: {  	_ =	shalt  }
0x6f: {  	_ =	shalt  }
0x70: {  	_ =	shalt  }
0x71: {  	_ =	shalt  }
0x72: {  	_ =	shalt  }
0x73: {  	_ =	shalt  }
0x74: {  	_ =	shalt  }
0x75: {  	_ =	shalt  }
0x76: {  	_ =	shalt  }
0x77: {  	_ =	shalt  }
0x78: {  	_ =	shalt  }
0x79: {  	_ =	shalt  }
0x7a: {  	_ =	shalt  }
0x7b: {  	_ =	shalt  }
0x7c: {  	_ =	shalt  }
0x7d: {  	_ =	shalt  }
0x7e: {  	_ =	shalt  }
0x7f: {  	_ =	shalt  }
0x80: {  	_ =	shalt  }
0x81: {  	_ =	shalt  }
0x82: {  	_ =	shalt  }
0x83: {  	_ =	shalt  }
0x84: {  	_ =	shalt  }
0x85: {  	_ =	shalt  }
0x86: {  	_ =	shalt  }
0x87: {  	_ =	shalt  }
.Lfunc_end0:
.L_simem_size_0:
called_computation.1_lowered:
.L_overlay_start_0:
0x88: {  	s2 =	sld [smem:$0x3FD9]  }
0x89: {  	s3 =	sld [smem:$0x3FFE];
	_ =	sdelay $0x1  }
0x8a: {  	s1 =	srdreg.scid  }
0x8b: {  	s0 =	sand.u32 $0x1, s1  }
0x8c: {  	s17 =	sshll.u32 s0, $0xA;
	s2 =	sadd.s32 s3, s2  }
0x8d: {  	s2 =	sadd.s32 s2, s17  }
0x8e: {  	[smem:$0x3FC4] =	sst s2  }
0x8f: {  	_ = 	snop  }
0x90: {  	s2 =	sld [smem:$0x3FD0];
	(tm) =	ssettm $0x1  }
0x91: {  	s18 =	sld [smem:$0x3FFB];
	_ =	sdelay $0x3  }
0x92: {  	_ =	strace s18  }
0x93: {  	s3 =	sld [smem:$0x3FFC];
	_ =	sdelay $0x3  }
0x94: {  	_ =	strace s3  }
0x95: {  	s3 =	sld [smem:$0x3FFD];
	_ =	sdelay $0x3  }
0x96: {  	_ =	strace s3  }
0x97: {  	_ =	strace $0x8FFFFFFF  }
0x98: {  	s19 =	sld [smem:$0x3FDB];
	_ =	sdelay $0x1  }
0x99: {  	s4 =	simm.s32 $_scs_section_size  }
0x9a: {  	s5 =	simm.s32 $_size__tile_overlayer_lowered;
	s6 =	simm.s32 $_tile_overlayer_lowered  }
0x9b: {  	s22 =	simm.s32 $0x1BFF;
	s21 =	sshll.u32 s6, $0x1;
	s3 =	sadd.s32 s4, s19  }
0x9c: {  	s7 =	simm.s32 $0x0;
	s20 =	sshll.u32 s5, $0x1;
	s5 =	sadd.s32 s21, s3  }
0x9d: {  	[timem:s7], [sflag:s22] =	dma.local [hbm:s5], s20  }
0x9e: {  	_ =	swait.ge [sflag:s22], s20  }
0x9f: {  	s4 =	ssub.s32 $0x0, s20;
	[sflag:s22] =	ssyncset.done $0x0  }
0xa0: {  	[sflag:s22] =	ssyncadd.s32 s4;
	_ =	sdelay $0x1  }
0xa1: {  	s23 =	simm.s32 $0x1B8B  }
0xa2: {  	_ =	swait.ge [sflag:s23], $0x1  }
0xa3: {  	[sflag:s23] =	ssyncset.done $0x0  }
0xa4: {  	s25 =	simm.s32 $0x1B8E;
	s24 =	sld [smem:$0x3FFE];
	[sflag:s23] =	ssyncadd.s32 $0xFFFFFFFF  }
0xa5: {  	s26 =	simm.s32 $execute0_lowered;
	[smem:$0x3FD2] =	sst s25  }
0xa6: {  	s5 =	sshll.u32 s26, $0x1;
	_ =	strace $0x80000049;
	[dreg:$0x1] =	wrdreg $0xFFFFFFFF  }
0xa7: {  	s28 =	simm.s32 $_size_execute0_lowered;
	s3 =	sadd.s32 s3, s5;
	[dreg:$0x0] =	wrdreg $0x0  }
0xa8: {  	s5 =	sshll.u32 s28, $0x1;
	[dreg:$0x2] =	wrdreg s3  }
0xa9: {  	[dreg:$0x3] =	wrdreg s5  }
0xaa: {  	[dreg:$0x4] =	wrdreg $0xC0  }
0xab: {  	_ =	task [dreg:s7], $0x5FFFF  }
0xac: {  	[dreg:$0x1] =	wrdreg $0xFFFFFFFF  }
0xad: {  	[dreg:$0x0] =	wrdreg $0x60  }
0xae: {  	[dreg:$0x2] =	wrdreg s24  }
0xaf: {  	[dreg:$0x3] =	wrdreg s2  }
0xb0: {  	[dreg:$0x4] =	wrdreg $0x82000  }
0xb1: {  	[dreg:$0x5] =	wrdreg $0x9  }
0xb2: {  	_ =	task.clear_ibuf [dreg:s7], $0x6FFFF;
	_ =	strace $0x90000049  }
0xb3: {  	s29 =	simm.s32 $0x9;
	_ =	strace $0x8000004B  }
0xb4: {  	_ =	swait.ge [sflag:s29], $0x1  }
0xb5: {  	[sflag:s29] =	ssyncadd.s32 $0xFFFFFFFF  }
0xb6: {  	_ =	strace $0x9000004B  }
0xb7: {  	_ =	sfence  }
0xb8: {  	s30 =	sld [smem:$0x0];
	_ =	sdelay $0x2  }
0xb9: {  	s31 =	sshll.u32 s1, $0xD;
	s1 =	sshrl.u32 s1, $0x2  }
0xba: {  	s3 =	sand.u32 $0x4000, s31;
	s1 =	sadd.s32 s1, s30  }
0xbb: {  	s0 =	sor.u32 s3, s0;
	s1 =	sshll.u32 s1, $0x11  }
0xbc: {  	s0 =	sor.u32 s1, s0  }
0xbd: {  	s0 =	sadd.s32 $0x8F2B, s0  }
0xbe: {  	[sflag:s0] =	ssyncadd.remote.s32 $0x1  }
0xbf: {  	_ =	sfence.sel $0xFFFF  }
0xc0: {  	[dreg:$0x0] =	wrdreg $0xFFFFFFFF;
	(pc) =	sbr.abs _section_cstart, $3  }
0xc1: {  	[dreg:$0x1] =	wrdreg $0xFFFFFFFF  }
0xc2: {  	_ =	task.clear_ibuf [dreg:s7], $0x2FFFF;
	_ =	strace $0x9FFFFFFF  }
0xc3: {  	(tm) =	ssettm $0x7FFFFFFF  }
tec
execute0_lowered:
.L_overlay_start_1:
0x0: {  	(tag) =	ssettag $0x1  }
0x1: {  	s6 =	rddreg [dreg:$0x0]  }
0x2: {  	s1 =	rddreg [dreg:$0x1]  }
0x3: {  	s2 =	rddreg [dreg:$0x2]  }
0x4: {  	s0 =	rddreg [dreg:$0x3];
	s4 =	simm.s32 $0x0;
	s5 =	srdreg.scid  }
0x5: {  	s3 =	stileid.u32;
	s19 =	simm.s32 $0x180;
	s20 =	simm.s32 $0x1  }
0x6: {  	s21 =	simm.s32 $0x200;
	s22 =	simm.s32 $0x2;
	s8 =	smul.u32 $0x2780, s3  }
0x7: {  	s23 =	simm.s32 $0x4200;
	s25 =	simm.s32 $0x4;
	s11 =	smul.u32 $0x4F000, s3  }
0x8: {  	[smem:$0x7FF] =	sst s4;
	s7 =	sand.u32 $0x1, s5;
	s12 =	smul.u32 $0x2800, s3  }
0x9: {  	s14 =	sadd.s32 $0x8800, s6;
	s13 =	sadd.s32 $0x800, s6;
	s18 =	smul.u32 $0x500, s3  }
0xa: {  	s5 =	sadd.s32 $0x6000, s6;
	s29 =	sshll.u32 s3, $0x6;
	s9 =	smul.u32 $0x27800, s7  }
0xb: {  	_ =	strace $0x8000004A;
	s10 =	ssub.s32 $0x2, s7;
	s24 =	smul.u32 $0x2710, s7  }
0xc: {  	s26 =	sshrl.u32 s10, $0x1;
	s28 =	sshrl.u32 s11, $0x2;
	s30 =	sshrl.u32 s12, $0x3  }
0xd: {  	s8 =	sadd.s32 s8, s9;
	s16 =	ssub.s32 s10, s26;
	s17 =	sadd.s32 s28, s2  }
0xe: {  	s7 =	sadd.s32 s14, s30;
	s31 =	sor.u32 $0x10, s30;
	v0 =	vmov s24;
	s24 =	simm.s32 $0x3  }
.Ltmp0:
0xf: {  	s26 =	simm.s32 $0x0;
	s15 =	sadd.s32 s8, s6;
	(pc) =	sbr.rel .LBB2_1-.Ltmp0, $4  }
0x10: {  	s6 =	sor.u32 $0x1C05, s29;
	s8 =	sadd.s32 s13, s30;
	s9 =	sadd.s32 s14, s31  }
0x11: {  	s10 =	sadd.s32 s13, s31;
	s12 =	smax.u32 s16, $0x1;
	s13 =	sadd.s32 s18, s13  }
0x12: {  	s14 =	sadd.s32 s18, s14;
	s16 =	simm.s32 $0x5;
	s18 =	simm.s32 $0x80  }
0x13: {  	s11 =	sadd.s32 $0xD800, s15;
	s15 =	sshrl.u32 s17, $0x3;
	s17 =	simm.s32 $0x100  }
.LBB2_4:
0x14: {  	_ =	swait.ge [sflag:s25], $0x4000  }
0x15: {  	[sflag:s25] =	ssyncset.done $0x0  }
0x16: {  	[sflag:s25] =	ssyncadd.s32 $0xFFFFC000  }
0x17: {  	[spmem:s2] =	stream.indirect.scatter.add.f32 [tilespmem:s23], [sflag:$0x5], $0x80, s19, s18, $0xb8;
	[tilespmem:$0x1BE00] =	vst v63  }
0x18: {  	_ =	swait.ge [sflag:s16], $0x4000  }
0x19: {  	s26 =	sadd.s32 $0x1, s26;
	[sflag:s16] =	ssyncset.done $0x0  }
0x1a: {  	p0 =	sne.s32 s26, s12;
	[sflag:s16] =	ssyncadd.s32 $0xFFFFC000  }
.Ltmp1:
0x1b: {  	[bflag:$0x0] =	sbarrier.arrive $0xFFFF;
	(pc) =	sbr.rel @!p0 .LBB2_5-.Ltmp1, $4  }
0x1c: {  	[hbm:s11], [sflag:s6] =	dma.local [spmem:s15], $0x2780  }
0x1d: {  	_ =	swait.ge [sflag:s16], $0x2780  }
0x1e: {  	[sflag:s16] =	ssyncset.done $0x0  }
0x1f: {  	[sflag:s16] =	ssyncadd.s32 $0xFFFFD880  }
.LBB2_1:
0x20: {  	[spmem:s15], [sflag:s6] =	dma.local [hbm:s5], $0x2780  }
0x21: {  	_ =	swait.ge [sflag:s16], $0x2780  }
0x22: {  	[sflag:s16] =	ssyncset.done $0x0  }
0x23: {  	[sflag:s16] =	ssyncadd.s32 $0xFFFFD880  }
0x24: {  	[bflag:$0x0] =	sbarrier.arrive $0xFFFF  }
0x25: {  	[tilespmem:s4], [sflag:$0x1] =	stream.linear.gather [hbm4b:s7+s4], $0x80, $0x38;
	[tilespmem:$0x1BE00] =	vst v63  }
0x26: {  	_ = 	snop  }
0x27: {  	[tilespmem:s17], [sflag:$0x1] =	stream.linear.gather [hbm4b:s8+s4], $0x80, $0x38;
	[tilespmem:$0x1BE00] =	vst v63  }
0x28: {  	_ = 	snop  }
0x29: {  	[tilespmem:s18], [sflag:$0x2] =	stream.linear.gather [hbm4b:s9+s4], $0x80, $0x38;
	[tilespmem:$0x1BE00] =	vst v63  }
0x2a: {  	_ = 	snop  }
0x2b: {  	[tilespmem:s19], [sflag:$0x2] =	stream.linear.gather [hbm4b:s10+s4], $0x80, $0x38;
	[tilespmem:$0x1BE00] =	vst v63  }
0x2c: {  	_ =	swait.ge [sflag:s20], $0x80  }
0x2d: {  	[sflag:s20] =	ssyncset.done $0x0  }
0x2e: {  	[sflag:s20] =	ssyncadd.s32 $0xFFFFFF80  }
0x2f: {  	_ =	swait.ge [sflag:s20], $0x80  }
0x30: {  	[sflag:s20] =	ssyncset.done $0x0  }
0x31: {  	[sflag:s20] =	ssyncadd.s32 $0xFFFFFF80  }
0x32: {  	v1 =	vld [tilespmem:$0x0]  }
0x33: {  	v2 =	vld [tilespmem:$0x10]  }
0x34: {  	v3 =	vld [tilespmem:$0x20]  }
0x35: {  	v4 =	vld [tilespmem:$0x30]  }
0x36: {  	v5 =	vld [tilespmem:$0x40]  }
0x37: {  	v6 =	vld [tilespmem:$0x50];
	v1 =	vadd.s32 v0, v1  }
0x38: {  	[tilespmem:$0x0] =	vst v1;
	v1 =	vadd.s32 v0, v2;
	v2 =	vld [tilespmem:$0x60]  }
0x39: {  	[tilespmem:$0x10] =	vst v1;
	v1 =	vadd.s32 v0, v3;
	v3 =	vld [tilespmem:$0x70]  }
0x3a: {  	[tilespmem:$0x20] =	vst v1;
	v1 =	vadd.s32 v0, v4  }
0x3b: {  	[tilespmem:$0x30] =	vst v1;
	v1 =	vadd.s32 v0, v5  }
0x3c: {  	[tilespmem:$0x40] =	vst v1;
	v1 =	vadd.s32 v0, v6  }
0x3d: {  	[tilespmem:$0x50] =	vst v1;
	v1 =	vadd.s32 v0, v2  }
0x3e: {  	[tilespmem:$0x60] =	vst v1;
	v1 =	vadd.s32 v0, v3  }
0x3f: {  	s28 =	simm.s32 $0xFFFFFB20;
	[tilespmem:$0x70] =	vst v1  }
0x40: {  	[tilespmem:s21], [sflag:$0x3] =	stream.indirect.gather [hbm4b:s1+s18], $0x80, s4, s18, $0xb8;
	[tilespmem:$0x1BE00] =	vst v63  }
.LBB2_2:
0x41: {  	_ =	swait.ge [sflag:s22], $0x80  }
0x42: {  	[sflag:s22] =	ssyncset.done $0x0  }
0x43: {  	[sflag:s22] =	ssyncadd.s32 $0xFFFFFF80  }
0x44: {  	_ =	swait.ge [sflag:s22], $0x80  }
0x45: {  	[sflag:s22] =	ssyncset.done $0x0  }
0x46: {  	[sflag:s22] =	ssyncadd.s32 $0xFFFFFF80  }
0x47: {  	v1 =	vld [tilespmem:$0x80]  }
0x48: {  	v2 =	vld [tilespmem:$0x90]  }
0x49: {  	v3 =	vld [tilespmem:$0xA0]  }
0x4a: {  	v4 =	vld [tilespmem:$0xB0]  }
0x4b: {  	v5 =	vld [tilespmem:$0xC0]  }
0x4c: {  	v6 =	vld [tilespmem:$0xD0];
	v1 =	vadd.s32 v0, v1  }
0x4d: {  	[tilespmem:$0x80] =	vst v1;
	v1 =	vadd.s32 v0, v2;
	v2 =	vld [tilespmem:$0xE0]  }
0x4e: {  	[tilespmem:$0x90] =	vst v1;
	v1 =	vadd.s32 v0, v3;
	v3 =	vld [tilespmem:$0xF0]  }
0x4f: {  	[tilespmem:$0xA0] =	vst v1;
	v1 =	vadd.s32 v0, v4  }
0x50: {  	[tilespmem:$0xB0] =	vst v1;
	v1 =	vadd.s32 v0, v5  }
0x51: {  	[tilespmem:$0xC0] =	vst v1;
	v1 =	vadd.s32 v0, v6  }
0x52: {  	[tilespmem:$0xD0] =	vst v1;
	v1 =	vadd.s32 v0, v2  }
0x53: {  	[tilespmem:$0xE0] =	vst v1;
	v1 =	vadd.s32 v0, v3  }
0x54: {  	[tilespmem:$0xF0] =	vst v1  }
0x55: {  	[tilespmem:s23], [sflag:$0x4] =	stream.indirect.gather [hbm4b:s1+s18], $0x80, s18, s18, $0xb8;
	[tilespmem:$0x1BE00] =	vst v63  }
0x56: {  	_ =	swait.ge [sflag:s24], $0x4000  }
0x57: {  	p0 =	seq.s32 s28, $0x0;
	[sflag:s24] =	ssyncset.done $0x0  }
.Ltmp2:
0x58: {  	[sflag:s24] =	ssyncadd.s32 $0xFFFFC000;
	(pc) =	sbr.rel @p0 .LBB2_4-.Ltmp2, $4  }
0x59: {  	[spmem:s2] =	stream.indirect.scatter.add.f32 [tilespmem:s21], [sflag:$0x5], $0x80, s17, s18, $0xb8;
	[tilespmem:$0x1BE00] =	vst v63  }
0x5a: {  	_ =	swait.ge [sflag:s16], $0x4000  }
0x5b: {  	[sflag:s16] =	ssyncset.done $0x0  }
0x5c: {  	[sflag:s16] =	ssyncadd.s32 $0xFFFFC000  }
0x5d: {  	s29 =	sadd.s32 s28, s14  }
0x5e: {  	s30 =	sadd.s32 $0x500, s29  }
0x5f: {  	[tilespmem:s4], [sflag:$0x1] =	stream.linear.gather [hbm4b:s30+s4], $0x80, $0x38;
	[tilespmem:$0x1BE00] =	vst v63  }
0x60: {  	s30 =	sadd.s32 s28, s13  }
0x61: {  	s31 =	sadd.s32 $0x500, s30  }
0x62: {  	[tilespmem:s17], [sflag:$0x1] =	stream.linear.gather [hbm4b:s31+s4], $0x80, $0x38;
	[tilespmem:$0x1BE00] =	vst v63  }
0x63: {  	_ =	swait.ge [sflag:s20], $0x80  }
0x64: {  	[sflag:s20] =	ssyncset.done $0x0  }
0x65: {  	[sflag:s20] =	ssyncadd.s32 $0xFFFFFF80  }
0x66: {  	_ =	swait.ge [sflag:s20], $0x80  }
0x67: {  	[sflag:s20] =	ssyncset.done $0x0  }
0x68: {  	[sflag:s20] =	ssyncadd.s32 $0xFFFFFF80  }
0x69: {  	v1 =	vld [tilespmem:$0x0]  }
0x6a: {  	v2 =	vld [tilespmem:$0x10]  }
0x6b: {  	v3 =	vld [tilespmem:$0x20]  }
0x6c: {  	v4 =	vld [tilespmem:$0x30]  }
0x6d: {  	v5 =	vld [tilespmem:$0x40]  }
0x6e: {  	v6 =	vld [tilespmem:$0x50];
	v1 =	vadd.s32 v0, v1  }
0x6f: {  	[tilespmem:$0x0] =	vst v1;
	v1 =	vadd.s32 v0, v2;
	v2 =	vld [tilespmem:$0x60]  }
0x70: {  	[tilespmem:$0x10] =	vst v1;
	v1 =	vadd.s32 v0, v3;
	v3 =	vld [tilespmem:$0x70]  }
0x71: {  	[tilespmem:$0x20] =	vst v1;
	v1 =	vadd.s32 v0, v4  }
0x72: {  	[tilespmem:$0x30] =	vst v1;
	v1 =	vadd.s32 v0, v5  }
0x73: {  	[tilespmem:$0x40] =	vst v1;
	v1 =	vadd.s32 v0, v6  }
0x74: {  	[tilespmem:$0x50] =	vst v1;
	v1 =	vadd.s32 v0, v2  }
0x75: {  	[tilespmem:$0x60] =	vst v1;
	v1 =	vadd.s32 v0, v3  }
0x76: {  	[tilespmem:$0x70] =	vst v1  }
0x77: {  	[tilespmem:s21], [sflag:$0x3] =	stream.indirect.gather [hbm4b:s1+s18], $0x80, s4, s18, $0xb8;
	[tilespmem:$0x1BE00] =	vst v63  }
0x78: {  	_ =	swait.ge [sflag:s25], $0x4000  }
0x79: {  	[sflag:s25] =	ssyncset.done $0x0  }
0x7a: {  	[sflag:s25] =	ssyncadd.s32 $0xFFFFC000  }
0x7b: {  	[spmem:s2] =	stream.indirect.scatter.add.f32 [tilespmem:s23], [sflag:$0x5], $0x80, s19, s18, $0xb8;
	[tilespmem:$0x1BE00] =	vst v63  }
0x7c: {  	_ =	swait.ge [sflag:s16], $0x4000  }
.Ltmp3:
0x7d: {  	[sflag:s16] =	ssyncset.done $0x0;
	(pc) =	sbr.rel .LBB2_2-.Ltmp3, $4  }
0x7e: {  	s29 =	sadd.s32 $0x510, s29;
	[sflag:s16] =	ssyncadd.s32 $0xFFFFC000  }
0x7f: {  	[tilespmem:s18], [sflag:$0x2] =	stream.linear.gather [hbm4b:s29+s4], $0x80, $0x38;
	[tilespmem:$0x1BE00] =	vst v63  }
0x80: {  	s28 =	sadd.s32 $0x20, s28;
	s31 =	sadd.s32 $0x510, s30  }
0x81: {  	[tilespmem:s19], [sflag:$0x2] =	stream.linear.gather [hbm4b:s31+s4], $0x80, $0x38;
	[tilespmem:$0x1BE00] =	vst v63  }
.LBB2_5:
0x82: {  	_ =	sfence.sel $0x180000  }
0x83: {  	[bflag:$0x0] =	sbarrier.arrive $0xFFFF  }
0x84: {  	p0 =	sne.s32 s3, $0x0;
	_ =	strace $0x9000004A  }
0x85: {  	s0 =	sadd.s32 @!p0 $0x100000, s0;
	[bflag:$0x2] =	sbarrier.arrive $0xFFFF  }
0x86: {  	[sflag:s0] =	ssyncadd.tile.s32 @!p0 $0x1;
	_ =	shalt  }
.Lfunc_end2:
_tile_overlayer_lowered:
.L_overlay_start_2:
0x87: {  	(tag) =	ssettag $0x2  }
0x88: {  	s0 =	rddreg [dreg:$0x0];
	s2 =	stileid.u32  }
0x89: {  	s1 =	rddreg [dreg:$0x1];
	p0 =	sne.s32 s2, $0x0  }
0x8a: {  	s3 =	rddreg [dreg:$0x2];
	[bflag:$0x3] =	sbarrier.arrive $0xFFFF;
	s2 =	simm.s32 @!p0 $0x1C05  }
0x8b: {  	[timem:s3], [sflag:s2] =	dma.local @!p0 [hbm:s0], s1  }
0x8c: {  	s0 =	simm.s32 @!p0 $0x5  }
0x8d: {  	_ =	swait.ge @!p0 [sflag:s0], s1  }
0x8e: {  	s1 =	ssub.s32 @!p0 $0x0, s1;
	[sflag:s0] =	ssyncset.done @!p0 $0x0  }
0x8f: {  	[sflag:s0] =	ssyncadd.s32 @!p0 s1  }
0x90: {  	[bflag:$0x3] =	sbarrier.arrive $0xFFFF  }
0x91: {  	_ =	shalt  }

</sc_bundles>
